<compile_context>
chip_gen: v7x
topology: tpu7x:2x2x1
jax: 0.10.2.dev20260603
libtpu: 0.0.44.dev20260713+nightly
codegen_flags: <defaults>
</compile_context>

<pallas_src>
import functools

import jax
import jax.numpy as jnp
from jax import lax
from jax.experimental import pallas as pl
from jax.experimental.pallas import tpu as pltpu
from jax.experimental.pallas import tpu_sc as plsc

D = 128
NC = 2
NS = 16
NW = NC * NS
C = 256
K = C // 128
SUPER = 1024
CPS = SUPER // C
NBUF = 2


def _sc_gather(table, idx2d, total_rows):
    rows_per_w = total_rows // NW
    n_super = rows_per_w // SUPER

    mesh = plsc.VectorSubcoreMesh(core_axis_name="c", subcore_axis_name="s")

    @functools.partial(
        pl.kernel,
        mesh=mesh,
        out_type=jax.ShapeDtypeStruct((total_rows, D), jnp.float32),
        scratch_types=[
            pltpu.VMEM((2, SUPER // 128, 128), jnp.int32),
            pltpu.VMEM((NBUF, C, D), jnp.float32),
            pltpu.SemaphoreType.DMA,
            pltpu.SemaphoreType.DMA,
            pltpu.SemaphoreType.DMA,
            pltpu.SemaphoreType.DMA,
        ],
    )
    def k(table_hbm, idx_hbm, out_hbm, idx_v, rows_v, isem, gsem, osem0, osem1):
        wid = lax.axis_index("s") * NC + lax.axis_index("c")
        base = wid * rows_per_w
        osems = [osem0, osem1]

        def idx_rows(ss):
            return pl.multiple_of((base + ss * SUPER) // 128, SUPER // 128)

        pltpu.async_copy(
            idx_hbm.at[pl.ds(idx_rows(0), SUPER // 128)], idx_v.at[0], isem
        )

        def body(ss, carry):
            ib = ss % 2
            sbase = base + ss * SUPER
            pltpu.make_async_copy(
                idx_hbm.at[pl.ds(idx_rows(ss), SUPER // 128)],
                idx_v.at[ib],
                isem,
            ).wait()

            @pl.when(ss + 1 < n_super)
            def _():
                pltpu.async_copy(
                    idx_hbm.at[pl.ds(idx_rows(ss + 1), SUPER // 128)],
                    idx_v.at[(ss + 1) % 2],
                    isem,
                )

            for c in range(CPS):
                b = c % NBUF
                off = sbase + c * C

                def drain():
                    pltpu.make_async_copy(
                        rows_v.at[b],
                        out_hbm.at[pl.ds(off - NBUF * C, C)],
                        osems[b],
                    ).wait()

                if c < NBUF:
                    pl.when(ss > 0)(drain)
                else:
                    drain()

                cps = [
                    pltpu.async_copy(
                        table_hbm.at[idx_v.at[ib, c * K + j]],
                        rows_v.at[b, pl.ds(j * 128, 128)],
                        gsem,
                    )
                    for j in range(K)
                ]
                for cp in cps:
                    cp.wait()
                pltpu.async_copy(
                    rows_v.at[b], out_hbm.at[pl.ds(off, C)], osems[b]
                )
            return carry

        lax.fori_loop(0, n_super, body, 0)

        for b in range(NBUF):
            off = base + rows_per_w - (NBUF - b) * C
            pltpu.make_async_copy(
                rows_v.at[b], out_hbm.at[pl.ds(off, C)], osems[b]
            ).wait()

    return k(table, idx2d)


def kernel(x, table):
    batch, seq = x.shape
    total_rows = batch * seq
    idx2d = x.reshape(total_rows // 128, 128).astype(jnp.int32)
    out = _sc_gather(table, idx2d, total_rows)
    return out.reshape(batch, seq, D)

# --- scband reference (transcript-rebuilt; emitter-appended) ---
"""Pipeline reference for scband-input-embedding-12197707121055 (READ-ONLY COPY).

The authoritative reference and input builder live on the scoring server;
editing this copy changes nothing except your own understanding.
"""

import jax, jax.numpy as jnp
import numpy as np

VOCAB = 100000
EMBED_DIM = 128
BATCH = 4096
SEQ = 200

def setup_inputs(seed: int = 0) -> dict:
    key = jax.random.key(seed)
    k_idx, k_tab = jax.random.split(key)
    x = jax.random.randint(k_idx, (BATCH, SEQ), 0, VOCAB, dtype=jnp.int64)
    # nn.Embedding default init: N(0, 1)
    table = jax.random.normal(k_tab, (VOCAB, EMBED_DIM), dtype=jnp.float32)
    return {"x": x, "table": table}

def reference(x, table):
    # InputEmbedding.forward: self.embedding(x) -> gather rows of the table
    return jnp.take(table, x, axis=0)

if __name__ == "__main__":
    import jax
    _d = setup_inputs()
    print(jax.jit(kernel)(*tuple(_d.values())))

</pallas_src>

<mosaic_0001>
#map = affine_map<(d0, d1) -> (0, 0)>
module attributes {stable_mosaic.version = 14 : i64} {
  func.func @k(%arg0: i32, %arg1: i32, %arg2: memref<100000x128xf32, #tpu.memory_space<hbm>>, %arg3: memref<6400x128xi32, #tpu.memory_space<hbm>>, %arg4: memref<819200x128xf32, #tpu.memory_space<hbm>>, %arg5: memref<2x8x128xi32, #tpu.memory_space<vmem>>, %arg6: memref<2x256x128xf32, #tpu.memory_space<vmem>>, %arg7: memref<!tpu.dma_semaphore, #tpu.memory_space<semaphore_mem>>, %arg8: memref<!tpu.dma_semaphore, #tpu.memory_space<semaphore_mem>>, %arg9: memref<!tpu.dma_semaphore, #tpu.memory_space<semaphore_mem>>, %arg10: memref<!tpu.dma_semaphore, #tpu.memory_space<semaphore_mem>>) attributes {dimension_semantics = [#tpu.dimension_semantics<core_parallel>, #tpu.dimension_semantics<subcore_parallel>], iteration_bounds = array<i64: 2, 16>, scalar_prefetch = 0 : i64, scratch_operands = 6 : i64, tpu.core_type = #tpu.core_type<sc_vector_subcore>, window_params = [{transform_indices = #map}, {transform_indices = #map}, {transform_indices = #map}]} {
    %mul3A = arith.constant 2 : i32
    %mul3A_0 = arith.muli %arg1, %mul3A : i32
    %add3A = arith.addi %mul3A_0, %arg0 : i32
    %mul3A_1 = arith.constant 25600 : i32
    %mul3A_2 = arith.muli %add3A, %mul3A_1 : i32
    %add3A_3 = arith.constant 0 : i32
    %add3A_4 = arith.addi %mul3A_2, %add3A_3 : i32
    %jit3A = arith.constant 128 : i32
    %div3A = arith.divsi %add3A_4, %jit3A : i32
    %sign3A = arith.constant 0 : i32
    %sign3A_5 = arith.cmpi sgt, %add3A_4, %sign3A : i32
    %sign3A_6 = arith.extui %sign3A_5 : i1 to i32
    %sign3A_7 = arith.constant 0 : i32
    %sign3A_8 = arith.cmpi slt, %add3A_4, %sign3A_7 : i32
    %sign3A_9 = arith.extui %sign3A_8 : i1 to i32
    %sign3A_10 = arith.subi %sign3A_6, %sign3A_9 : i32
    %sign3A_11 = arith.constant 0 : i32
    %sign3A_12 = arith.cmpi sgt, %jit3A, %sign3A_11 : i32
    %sign3A_13 = arith.extui %sign3A_12 : i1 to i32
    %sign3A_14 = arith.constant 0 : i32
    %sign3A_15 = arith.cmpi slt, %jit3A, %sign3A_14 : i32
    %sign3A_16 = arith.extui %sign3A_15 : i1 to i32
    %sign3A_17 = arith.subi %sign3A_13, %sign3A_16 : i32
    %ne3A = arith.cmpi ne, %sign3A_10, %sign3A_17 : i32
    %rem3A = arith.remsi %add3A_4, %jit3A : i32
    %ne3A_18 = arith.constant 0 : i32
    %ne3A_19 = arith.cmpi ne, %rem3A, %ne3A_18 : i32
    %and3A = arith.andi %ne3A, %ne3A_19 : i1
    %sub3A = arith.constant 1 : i32
    %sub3A_20 = arith.subi %div3A, %sub3A : i32
    %select_n3A = arith.select %and3A, %sub3A_20, %div3A : i32
    %multiple_of3A = tpu.assume_multiple %select_n3A, 8 : i32
    %dma_start3A = arith.constant 0 : i32
    %dma_start3A_21 = arith.constant 0 : i32
    %dma_start3A_22 = arith.constant 0 : i32
    %dma_start3A_23 = tpu.memref_slice %arg5[%dma_start3A, %dma_start3A_21, %dma_start3A_22] : memref<2x8x128xi32, #tpu.memory_space<vmem>> -> memref<1x8x128xi32, #tpu.memory_space<vmem>>
    %dma_start3A_24 = tpu.memref_squeeze %dma_start3A_23 : memref<1x8x128xi32, #tpu.memory_space<vmem>> -> memref<8x128xi32, #tpu.memory_space<vmem>>
    %dma_start3A_25 = arith.constant 0 : i32
    %dma_start3A_26 = tpu.memref_slice %arg3[%multiple_of3A, %dma_start3A_25] : memref<6400x128xi32, #tpu.memory_space<hbm>> -> memref<8x128xi32, #tpu.memory_space<hbm>>
    %dma_start3A_27 = arith.constant 0 : i32
    %dma_start3A_28 = arith.constant 0 : i32
    %dma_start3A_29 = tpu.memref_slice %arg5[%dma_start3A, %dma_start3A_27, %dma_start3A_28] : memref<2x8x128xi32, #tpu.memory_space<vmem>> -> memref<1x8x128xi32, #tpu.memory_space<vmem>>
    %dma_start3A_30 = tpu.memref_squeeze %dma_start3A_29 : memref<1x8x128xi32, #tpu.memory_space<vmem>> -> memref<8x128xi32, #tpu.memory_space<vmem>>
    %dma_start3A_31 = arith.constant 0 : i32
    %dma_start3A_32 = tpu.memref_slice %arg3[%multiple_of3A, %dma_start3A_31] : memref<6400x128xi32, #tpu.memory_space<hbm>> -> memref<8x128xi32, #tpu.memory_space<hbm>>
    tpu.enqueue_dma source(%dma_start3A_32 : memref<8x128xi32, #tpu.memory_space<hbm>>) target(%dma_start3A_30 : memref<8x128xi32, #tpu.memory_space<vmem>>) target_semaphore(%arg7 : memref<!tpu.dma_semaphore, #tpu.memory_space<semaphore_mem>>)
    %scan3A = arith.constant 0 : i32
    %scan3A_33 = arith.constant 0 : i32
    %scan3A_34 = arith.constant 25 : i32
    %scan3A_35 = arith.addi %scan3A_33, %scan3A_34 : i32
    %scan3A_36 = arith.constant 1 : i32
    scf.for %scan3A_71 = %scan3A_33 to %scan3A_35 step %scan3A_36  : i32 {
      %jit3A_72 = arith.constant 2 : i32
      %eq3A = arith.constant 0 : i32
      %eq3A_73 = arith.cmpi eq, %jit3A_72, %eq3A : i32
      %jit3A_74 = arith.constant 1 : i32
      %select_n3A_75 = arith.select %eq3A_73, %jit3A_74, %jit3A_72 : i32
      %rem3A_76 = arith.remsi %scan3A_71, %select_n3A_75 : i32
      %ne3A_77 = arith.constant 0 : i32
      %ne3A_78 = arith.cmpi ne, %rem3A_76, %ne3A_77 : i32
      %lt3A = arith.constant 0 : i32
      %lt3A_79 = arith.cmpi slt, %rem3A_76, %lt3A : i32
      %lt3A_80 = arith.constant 0 : i32
      %lt3A_81 = arith.cmpi slt, %select_n3A_75, %lt3A_80 : i32
      %ne3A_82 = arith.xori %lt3A_79, %lt3A_81 : i1
      %and3A_83 = arith.andi %ne3A_82, %ne3A_78 : i1
      %add3A_84 = arith.addi %rem3A_76, %select_n3A_75 : i32
      %select_n3A_85 = arith.select %and3A_83, %add3A_84, %rem3A_76 : i32
      %mul3A_86 = arith.constant 1024 : i32
      %mul3A_87 = arith.muli %scan3A_71, %mul3A_86 : i32
      %add3A_88 = arith.addi %mul3A_2, %mul3A_87 : i32
      %mul3A_89 = arith.constant 1024 : i32
      %mul3A_90 = arith.muli %scan3A_71, %mul3A_89 : i32
      %add3A_91 = arith.addi %mul3A_2, %mul3A_90 : i32
      %jit3A_92 = arith.constant 128 : i32
      %div3A_93 = arith.divsi %add3A_91, %jit3A_92 : i32
      %sign3A_94 = arith.constant 0 : i32
      %sign3A_95 = arith.cmpi sgt, %add3A_91, %sign3A_94 : i32
      %sign3A_96 = arith.extui %sign3A_95 : i1 to i32
      %sign3A_97 = arith.constant 0 : i32
      %sign3A_98 = arith.cmpi slt, %add3A_91, %sign3A_97 : i32
      %sign3A_99 = arith.extui %sign3A_98 : i1 to i32
      %sign3A_100 = arith.subi %sign3A_96, %sign3A_99 : i32
      %sign3A_101 = arith.constant 0 : i32
      %sign3A_102 = arith.cmpi sgt, %jit3A_92, %sign3A_101 : i32
      %sign3A_103 = arith.extui %sign3A_102 : i1 to i32
      %sign3A_104 = arith.constant 0 : i32
      %sign3A_105 = arith.cmpi slt, %jit3A_92, %sign3A_104 : i32
      %sign3A_106 = arith.extui %sign3A_105 : i1 to i32
      %sign3A_107 = arith.subi %sign3A_103, %sign3A_106 : i32
      %ne3A_108 = arith.cmpi ne, %sign3A_100, %sign3A_107 : i32
      %rem3A_109 = arith.remsi %add3A_91, %jit3A_92 : i32
      %ne3A_110 = arith.constant 0 : i32
      %ne3A_111 = arith.cmpi ne, %rem3A_109, %ne3A_110 : i32
      %and3A_112 = arith.andi %ne3A_108, %ne3A_111 : i1
      %sub3A_113 = arith.constant 1 : i32
      %sub3A_114 = arith.subi %div3A_93, %sub3A_113 : i32
      %select_n3A_115 = arith.select %and3A_112, %sub3A_114, %div3A_93 : i32
      %multiple_of3A_116 = tpu.assume_multiple %select_n3A_115, 8 : i32
      %dma_wait3A_117 = arith.constant 0 : i32
      %dma_wait3A_118 = arith.constant 0 : i32
      %dma_wait3A_119 = tpu.memref_slice %arg5[%select_n3A_85, %dma_wait3A_117, %dma_wait3A_118] : memref<2x8x128xi32, #tpu.memory_space<vmem>> -> memref<1x8x128xi32, #tpu.memory_space<vmem>>
      %dma_wait3A_120 = tpu.memref_squeeze %dma_wait3A_119 : memref<1x8x128xi32, #tpu.memory_space<vmem>> -> memref<8x128xi32, #tpu.memory_space<vmem>>
      %dma_wait3A_121 = arith.constant 0 : i32
      %dma_wait3A_122 = tpu.memref_slice %arg3[%multiple_of3A_116, %dma_wait3A_121] : memref<6400x128xi32, #tpu.memory_space<hbm>> -> memref<8x128xi32, #tpu.memory_space<hbm>>
      %dma_wait3A_123 = arith.constant 0 : i32
      %dma_wait3A_124 = arith.constant 0 : i32
      %dma_wait3A_125 = tpu.memref_slice %arg5[%select_n3A_85, %dma_wait3A_123, %dma_wait3A_124] : memref<2x8x128xi32, #tpu.memory_space<vmem>> -> memref<1x8x128xi32, #tpu.memory_space<vmem>>
      %dma_wait3A_126 = tpu.memref_squeeze %dma_wait3A_125 : memref<1x8x128xi32, #tpu.memory_space<vmem>> -> memref<8x128xi32, #tpu.memory_space<vmem>>
      %dma_wait3A_127 = arith.constant 0 : i32
      %dma_wait3A_128 = tpu.memref_slice %arg3[%multiple_of3A_116, %dma_wait3A_127] : memref<6400x128xi32, #tpu.memory_space<hbm>> -> memref<8x128xi32, #tpu.memory_space<hbm>>
      tpu.wait_dma2 semaphore(%arg7 : memref<!tpu.dma_semaphore, #tpu.memory_space<semaphore_mem>>) src(%dma_wait3A_128 : memref<8x128xi32, #tpu.memory_space<hbm>>) dst(%dma_wait3A_126 : memref<8x128xi32, #tpu.memory_space<vmem>>)
      %add3A_129 = arith.constant 1 : i32
      %add3A_130 = arith.addi %scan3A_71, %add3A_129 : i32
      %lt3A_131 = arith.constant 25 : i32
      %lt3A_132 = arith.cmpi slt, %add3A_130, %lt3A_131 : i32
      %convert_element_type3A = arith.extui %lt3A_132 : i1 to i32
      %cond3A = arith.constant 0 : i32
      %cond3A_133 = arith.cmpi ne, %convert_element_type3A, %cond3A : i32
      scf.if %cond3A_133 {
        %add3A_425 = arith.constant 1 : i32
        %add3A_426 = arith.addi %scan3A_71, %add3A_425 : i32
        %mul3A_427 = arith.constant 1024 : i32
        %mul3A_428 = arith.muli %add3A_426, %mul3A_427 : i32
        %add3A_429 = arith.addi %mul3A_2, %mul3A_428 : i32
        %jit3A_430 = arith.constant 128 : i32
        %div3A_431 = arith.divsi %add3A_429, %jit3A_430 : i32
        %sign3A_432 = arith.constant 0 : i32
        %sign3A_433 = arith.cmpi sgt, %add3A_429, %sign3A_432 : i32
        %sign3A_434 = arith.extui %sign3A_433 : i1 to i32
        %sign3A_435 = arith.constant 0 : i32
        %sign3A_436 = arith.cmpi slt, %add3A_429, %sign3A_435 : i32
        %sign3A_437 = arith.extui %sign3A_436 : i1 to i32
        %sign3A_438 = arith.subi %sign3A_434, %sign3A_437 : i32
        %sign3A_439 = arith.constant 0 : i32
        %sign3A_440 = arith.cmpi sgt, %jit3A_430, %sign3A_439 : i32
        %sign3A_441 = arith.extui %sign3A_440 : i1 to i32
        %sign3A_442 = arith.constant 0 : i32
        %sign3A_443 = arith.cmpi slt, %jit3A_430, %sign3A_442 : i32
        %sign3A_444 = arith.extui %sign3A_443 : i1 to i32
        %sign3A_445 = arith.subi %sign3A_441, %sign3A_444 : i32
        %ne3A_446 = arith.cmpi ne, %sign3A_438, %sign3A_445 : i32
        %rem3A_447 = arith.remsi %add3A_429, %jit3A_430 : i32
        %ne3A_448 = arith.constant 0 : i32
        %ne3A_449 = arith.cmpi ne, %rem3A_447, %ne3A_448 : i32
        %and3A_450 = arith.andi %ne3A_446, %ne3A_449 : i1
        %sub3A_451 = arith.constant 1 : i32
        %sub3A_452 = arith.subi %div3A_431, %sub3A_451 : i32
        %select_n3A_453 = arith.select %and3A_450, %sub3A_452, %div3A_431 : i32
        %multiple_of3A_454 = tpu.assume_multiple %select_n3A_453, 8 : i32
        %add3A_455 = arith.constant 1 : i32
        %add3A_456 = arith.addi %scan3A_71, %add3A_455 : i32
        %jit3A_457 = arith.constant 2 : i32
        %eq3A_458 = arith.constant 0 : i32
        %eq3A_459 = arith.cmpi eq, %jit3A_457, %eq3A_458 : i32
        %jit3A_460 = arith.constant 1 : i32
        %select_n3A_461 = arith.select %eq3A_459, %jit3A_460, %jit3A_457 : i32
        %rem3A_462 = arith.remsi %add3A_456, %select_n3A_461 : i32
        %ne3A_463 = arith.constant 0 : i32
        %ne3A_464 = arith.cmpi ne, %rem3A_462, %ne3A_463 : i32
        %lt3A_465 = arith.constant 0 : i32
        %lt3A_466 = arith.cmpi slt, %rem3A_462, %lt3A_465 : i32
        %lt3A_467 = arith.constant 0 : i32
        %lt3A_468 = arith.cmpi slt, %select_n3A_461, %lt3A_467 : i32
        %ne3A_469 = arith.xori %lt3A_466, %lt3A_468 : i1
        %and3A_470 = arith.andi %ne3A_469, %ne3A_464 : i1
        %add3A_471 = arith.addi %rem3A_462, %select_n3A_461 : i32
        %select_n3A_472 = arith.select %and3A_470, %add3A_471, %rem3A_462 : i32
        %dma_start3A_473 = arith.constant 0 : i32
        %dma_start3A_474 = arith.constant 0 : i32
        %dma_start3A_475 = tpu.memref_slice %arg5[%select_n3A_472, %dma_start3A_473, %dma_start3A_474] : memref<2x8x128xi32, #tpu.memory_space<vmem>> -> memref<1x8x128xi32, #tpu.memory_space<vmem>>
        %dma_start3A_476 = tpu.memref_squeeze %dma_start3A_475 : memref<1x8x128xi32, #tpu.memory_space<vmem>> -> memref<8x128xi32, #tpu.memory_space<vmem>>
        %dma_start3A_477 = arith.constant 0 : i32
        %dma_start3A_478 = tpu.memref_slice %arg3[%multiple_of3A_454, %dma_start3A_477] : memref<6400x128xi32, #tpu.memory_space<hbm>> -> memref<8x128xi32, #tpu.memory_space<hbm>>
        %dma_start3A_479 = arith.constant 0 : i32
        %dma_start3A_480 = arith.constant 0 : i32
        %dma_start3A_481 = tpu.memref_slice %arg5[%select_n3A_472, %dma_start3A_479, %dma_start3A_480] : memref<2x8x128xi32, #tpu.memory_space<vmem>> -> memref<1x8x128xi32, #tpu.memory_space<vmem>>
        %dma_start3A_482 = tpu.memref_squeeze %dma_start3A_481 : memref<1x8x128xi32, #tpu.memory_space<vmem>> -> memref<8x128xi32, #tpu.memory_space<vmem>>
        %dma_start3A_483 = arith.constant 0 : i32
        %dma_start3A_484 = tpu.memref_slice %arg3[%multiple_of3A_454, %dma_start3A_483] : memref<6400x128xi32, #tpu.memory_space<hbm>> -> memref<8x128xi32, #tpu.memory_space<hbm>>
        tpu.enqueue_dma source(%dma_start3A_484 : memref<8x128xi32, #tpu.memory_space<hbm>>) target(%dma_start3A_482 : memref<8x128xi32, #tpu.memory_space<vmem>>) target_semaphore(%arg7 : memref<!tpu.dma_semaphore, #tpu.memory_space<semaphore_mem>>)
      } else {
      }
      %add3A_134 = arith.constant 0 : i32
      %add3A_135 = arith.addi %add3A_88, %add3A_134 : i32
      %gt3A = arith.constant 0 : i32
      %gt3A_136 = arith.cmpi sgt, %scan3A_71, %gt3A : i32
      %convert_element_type3A_137 = arith.extui %gt3A_136 : i1 to i32
      %cond3A_138 = arith.constant 0 : i32
      %cond3A_139 = arith.cmpi ne, %convert_element_type3A_137, %cond3A_138 : i32
      scf.if %cond3A_139 {
        %sub3A_425 = arith.constant 512 : i32
        %sub3A_426 = arith.subi %add3A_135, %sub3A_425 : i32
        %dma_wait3A_427 = arith.constant 0 : i32
        %dma_wait3A_428 = arith.constant 0 : i32
        %dma_wait3A_429 = arith.constant 0 : i32
        %dma_wait3A_430 = tpu.memref_slice %arg6[%dma_wait3A_427, %dma_wait3A_428, %dma_wait3A_429] : memref<2x256x128xf32, #tpu.memory_space<vmem>> -> memref<1x256x128xf32, #tpu.memory_space<vmem>>
        %dma_wait3A_431 = tpu.memref_squeeze %dma_wait3A_430 : memref<1x256x128xf32, #tpu.memory_space<vmem>> -> memref<256x128xf32, #tpu.memory_space<vmem>>
        %dma_wait3A_432 = arith.constant 0 : i32
        %dma_wait3A_433 = tpu.memref_slice %arg4[%sub3A_426, %dma_wait3A_432] : memref<819200x128xf32, #tpu.memory_space<hbm>> -> memref<256x128xf32, #tpu.memory_space<hbm>>
        %dma_wait3A_434 = arith.constant 0 : i32
        %dma_wait3A_435 = tpu.memref_slice %arg4[%sub3A_426, %dma_wait3A_434] : memref<819200x128xf32, #tpu.memory_space<hbm>> -> memref<256x128xf32, #tpu.memory_space<hbm>>
        %dma_wait3A_436 = arith.constant 0 : i32
        %dma_wait3A_437 = arith.constant 0 : i32
        %dma_wait3A_438 = tpu.memref_slice %arg6[%dma_wait3A_427, %dma_wait3A_436, %dma_wait3A_437] : memref<2x256x128xf32, #tpu.memory_space<vmem>> -> memref<1x256x128xf32, #tpu.memory_space<vmem>>
        %dma_wait3A_439 = tpu.memref_squeeze %dma_wait3A_438 : memref<1x256x128xf32, #tpu.memory_space<vmem>> -> memref<256x128xf32, #tpu.memory_space<vmem>>
        tpu.wait_dma2 semaphore(%arg9 : memref<!tpu.dma_semaphore, #tpu.memory_space<semaphore_mem>>) src(%dma_wait3A_439 : memref<256x128xf32, #tpu.memory_space<vmem>>) dst(%dma_wait3A_435 : memref<256x128xf32, #tpu.memory_space<hbm>>)
      } else {
      }
      %dma_start3A_140 = arith.constant 0 : i32
      %dma_start3A_141 = arith.constant 0 : i32
      %dma_start3A_142 = arith.constant 0 : i32
      %dma_start3A_143 = arith.constant 0 : i32
      %dma_start3A_144 = tpu.memref_slice %arg6[%dma_start3A_141, %dma_start3A_142, %dma_start3A_143] : memref<2x256x128xf32, #tpu.memory_space<vmem>> -> memref<1x128x128xf32, #tpu.memory_space<vmem>>
      %dma_start3A_145 = tpu.memref_squeeze %dma_start3A_144 : memref<1x128x128xf32, #tpu.memory_space<vmem>> -> memref<128x128xf32, #tpu.memory_space<vmem>>
      %dma_start3A_146 = arith.constant 0 : i32
      %dma_start3A_147 = tpu.memref_slice %arg5[%select_n3A_85, %dma_start3A_140, %dma_start3A_146] : memref<2x8x128xi32, #tpu.memory_space<vmem>> -> memref<1x1x128xi32, #tpu.memory_space<vmem>>
      %dma_start3A_148 = tpu.memref_squeeze %dma_start3A_147 : memref<1x1x128xi32, #tpu.memory_space<vmem>> -> memref<128xi32, #tpu.memory_space<vmem>>
      %dma_start3A_149 = arith.constant 0 : i32
      %dma_start3A_150 = arith.constant 0 : i32
      %dma_start3A_151 = tpu.memref_slice %arg2[%dma_start3A_149, %dma_start3A_150] : memref<100000x128xf32, #tpu.memory_space<hbm>> -> memref<100000x128xf32, #tpu.memory_space<hbm>>
      tpu.enqueue_indirect_dma source(%dma_start3A_151 : memref<100000x128xf32, #tpu.memory_space<hbm>>) target(%dma_start3A_145 : memref<128x128xf32, #tpu.memory_space<vmem>>) offsets(%dma_start3A_148 : memref<128xi32, #tpu.memory_space<vmem>>) semaphore(%arg8 : memref<!tpu.dma_semaphore, #tpu.memory_space<semaphore_mem>>)
      %dma_start3A_152 = arith.constant 1 : i32
      %dma_start3A_153 = arith.constant 0 : i32
      %dma_start3A_154 = arith.constant 128 : i32
      %dma_start3A_155 = arith.constant 0 : i32
      %dma_start3A_156 = tpu.memref_slice %arg6[%dma_start3A_153, %dma_start3A_154, %dma_start3A_155] : memref<2x256x128xf32, #tpu.memory_space<vmem>> -> memref<1x128x128xf32, #tpu.memory_space<vmem>>
      %dma_start3A_157 = tpu.memref_squeeze %dma_start3A_156 : memref<1x128x128xf32, #tpu.memory_space<vmem>> -> memref<128x128xf32, #tpu.memory_space<vmem>>
      %dma_start3A_158 = arith.constant 0 : i32
      %dma_start3A_159 = tpu.memref_slice %arg5[%select_n3A_85, %dma_start3A_152, %dma_start3A_158] : memref<2x8x128xi32, #tpu.memory_space<vmem>> -> memref<1x1x128xi32, #tpu.memory_space<vmem>>
      %dma_start3A_160 = tpu.memref_squeeze %dma_start3A_159 : memref<1x1x128xi32, #tpu.memory_space<vmem>> -> memref<128xi32, #tpu.memory_space<vmem>>
      %dma_start3A_161 = arith.constant 0 : i32
      %dma_start3A_162 = arith.constant 0 : i32
      %dma_start3A_163 = tpu.memref_slice %arg2[%dma_start3A_161, %dma_start3A_162] : memref<100000x128xf32, #tpu.memory_space<hbm>> -> memref<100000x128xf32, #tpu.memory_space<hbm>>
      tpu.enqueue_indirect_dma source(%dma_start3A_163 : memref<100000x128xf32, #tpu.memory_space<hbm>>) target(%dma_start3A_157 : memref<128x128xf32, #tpu.memory_space<vmem>>) offsets(%dma_start3A_160 : memref<128xi32, #tpu.memory_space<vmem>>) semaphore(%arg8 : memref<!tpu.dma_semaphore, #tpu.memory_space<semaphore_mem>>)
      %dma_wait3A_164 = arith.constant 0 : i32
      %dma_wait3A_165 = arith.constant 0 : i32
      %dma_wait3A_166 = arith.constant 0 : i32
      %dma_wait3A_167 = arith.constant 0 : i32
      %dma_wait3A_168 = tpu.memref_slice %arg6[%dma_wait3A_165, %dma_wait3A_166, %dma_wait3A_167] : memref<2x256x128xf32, #tpu.memory_space<vmem>> -> memref<1x128x128xf32, #tpu.memory_space<vmem>>
      %dma_wait3A_169 = tpu.memref_squeeze %dma_wait3A_168 : memref<1x128x128xf32, #tpu.memory_space<vmem>> -> memref<128x128xf32, #tpu.memory_space<vmem>>
      %dma_wait3A_170 = arith.constant 0 : i32
      %dma_wait3A_171 = tpu.memref_slice %arg5[%select_n3A_85, %dma_wait3A_164, %dma_wait3A_170] : memref<2x8x128xi32, #tpu.memory_space<vmem>> -> memref<1x1x128xi32, #tpu.memory_space<vmem>>
      %dma_wait3A_172 = tpu.memref_squeeze %dma_wait3A_171 : memref<1x1x128xi32, #tpu.memory_space<vmem>> -> memref<128xi32, #tpu.memory_space<vmem>>
      %dma_wait3A_173 = arith.constant 0 : i32
      %dma_wait3A_174 = arith.constant 0 : i32
      %dma_wait3A_175 = tpu.memref_slice %arg2[%dma_wait3A_173, %dma_wait3A_174] : memref<100000x128xf32, #tpu.memory_space<hbm>> -> memref<100000x128xf32, #tpu.memory_space<hbm>>
      tpu.wait_indirect_dma semaphore(%arg8 : memref<!tpu.dma_semaphore, #tpu.memory_space<semaphore_mem>>) src(%dma_wait3A_175 : memref<100000x128xf32, #tpu.memory_space<hbm>>) dst(%dma_wait3A_169 : memref<128x128xf32, #tpu.memory_space<vmem>>)
      %dma_wait3A_176 = arith.constant 1 : i32
      %dma_wait3A_177 = arith.constant 0 : i32
      %dma_wait3A_178 = arith.constant 128 : i32
      %dma_wait3A_179 = arith.constant 0 : i32
      %dma_wait3A_180 = tpu.memref_slice %arg6[%dma_wait3A_177, %dma_wait3A_178, %dma_wait3A_179] : memref<2x256x128xf32, #tpu.memory_space<vmem>> -> memref<1x128x128xf32, #tpu.memory_space<vmem>>
      %dma_wait3A_181 = tpu.memref_squeeze %dma_wait3A_180 : memref<1x128x128xf32, #tpu.memory_space<vmem>> -> memref<128x128xf32, #tpu.memory_space<vmem>>
      %dma_wait3A_182 = arith.constant 0 : i32
      %dma_wait3A_183 = tpu.memref_slice %arg5[%select_n3A_85, %dma_wait3A_176, %dma_wait3A_182] : memref<2x8x128xi32, #tpu.memory_space<vmem>> -> memref<1x1x128xi32, #tpu.memory_space<vmem>>
      %dma_wait3A_184 = tpu.memref_squeeze %dma_wait3A_183 : memref<1x1x128xi32, #tpu.memory_space<vmem>> -> memref<128xi32, #tpu.memory_space<vmem>>
      %dma_wait3A_185 = arith.constant 0 : i32
      %dma_wait3A_186 = arith.constant 0 : i32
      %dma_wait3A_187 = tpu.memref_slice %arg2[%dma_wait3A_185, %dma_wait3A_186] : memref<100000x128xf32, #tpu.memory_space<hbm>> -> memref<100000x128xf32, #tpu.memory_space<hbm>>
      tpu.wait_indirect_dma semaphore(%arg8 : memref<!tpu.dma_semaphore, #tpu.memory_space<semaphore_mem>>) src(%dma_wait3A_187 : memref<100000x128xf32, #tpu.memory_space<hbm>>) dst(%dma_wait3A_181 : memref<128x128xf32, #tpu.memory_space<vmem>>)
      %dma_start3A_188 = arith.constant 0 : i32
      %dma_start3A_189 = arith.constant 0 : i32
      %dma_start3A_190 = arith.constant 0 : i32
      %dma_start3A_191 = tpu.memref_slice %arg6[%dma_start3A_188, %dma_start3A_189, %dma_start3A_190] : memref<2x256x128xf32, #tpu.memory_space<vmem>> -> memref<1x256x128xf32, #tpu.memory_space<vmem>>
      %dma_start3A_192 = tpu.memref_squeeze %dma_start3A_191 : memref<1x256x128xf32, #tpu.memory_space<vmem>> -> memref<256x128xf32, #tpu.memory_space<vmem>>
      %dma_start3A_193 = arith.constant 0 : i32
      %dma_start3A_194 = tpu.memref_slice %arg4[%add3A_135, %dma_start3A_193] : memref<819200x128xf32, #tpu.memory_space<hbm>> -> memref<256x128xf32, #tpu.memory_space<hbm>>
      %dma_start3A_195 = arith.constant 0 : i32
      %dma_start3A_196 = tpu.memref_slice %arg4[%add3A_135, %dma_start3A_195] : memref<819200x128xf32, #tpu.memory_space<hbm>> -> memref<256x128xf32, #tpu.memory_space<hbm>>
      %dma_start3A_197 = arith.constant 0 : i32
      %dma_start3A_198 = arith.constant 0 : i32
      %dma_start3A_199 = tpu.memref_slice %arg6[%dma_start3A_188, %dma_start3A_197, %dma_start3A_198] : memref<2x256x128xf32, #tpu.memory_space<vmem>> -> memref<1x256x128xf32, #tpu.memory_space<vmem>>
      %dma_start3A_200 = tpu.memref_squeeze %dma_start3A_199 : memref<1x256x128xf32, #tpu.memory_space<vmem>> -> memref<256x128xf32, #tpu.memory_space<vmem>>
      tpu.enqueue_dma source(%dma_start3A_200 : memref<256x128xf32, #tpu.memory_space<vmem>>) target(%dma_start3A_196 : memref<256x128xf32, #tpu.memory_space<hbm>>) target_semaphore(%arg9 : memref<!tpu.dma_semaphore, #tpu.memory_space<semaphore_mem>>)
      %add3A_201 = arith.constant 256 : i32
      %add3A_202 = arith.addi %add3A_88, %add3A_201 : i32
      %gt3A_203 = arith.constant 0 : i32
      %gt3A_204 = arith.cmpi sgt, %scan3A_71, %gt3A_203 : i32
      %convert_element_type3A_205 = arith.extui %gt3A_204 : i1 to i32
      %cond3A_206 = arith.constant 0 : i32
      %cond3A_207 = arith.cmpi ne, %convert_element_type3A_205, %cond3A_206 : i32
      scf.if %cond3A_207 {
        %sub3A_425 = arith.constant 512 : i32
        %sub3A_426 = arith.subi %add3A_202, %sub3A_425 : i32
        %dma_wait3A_427 = arith.constant 1 : i32
        %dma_wait3A_428 = arith.constant 0 : i32
        %dma_wait3A_429 = arith.constant 0 : i32
        %dma_wait3A_430 = tpu.memref_slice %arg6[%dma_wait3A_427, %dma_wait3A_428, %dma_wait3A_429] : memref<2x256x128xf32, #tpu.memory_space<vmem>> -> memref<1x256x128xf32, #tpu.memory_space<vmem>>
        %dma_wait3A_431 = tpu.memref_squeeze %dma_wait3A_430 : memref<1x256x128xf32, #tpu.memory_space<vmem>> -> memref<256x128xf32, #tpu.memory_space<vmem>>
        %dma_wait3A_432 = arith.constant 0 : i32
        %dma_wait3A_433 = tpu.memref_slice %arg4[%sub3A_426, %dma_wait3A_432] : memref<819200x128xf32, #tpu.memory_space<hbm>> -> memref<256x128xf32, #tpu.memory_space<hbm>>
        %dma_wait3A_434 = arith.constant 0 : i32
        %dma_wait3A_435 = tpu.memref_slice %arg4[%sub3A_426, %dma_wait3A_434] : memref<819200x128xf32, #tpu.memory_space<hbm>> -> memref<256x128xf32, #tpu.memory_space<hbm>>
        %dma_wait3A_436 = arith.constant 0 : i32
        %dma_wait3A_437 = arith.constant 0 : i32
        %dma_wait3A_438 = tpu.memref_slice %arg6[%dma_wait3A_427, %dma_wait3A_436, %dma_wait3A_437] : memref<2x256x128xf32, #tpu.memory_space<vmem>> -> memref<1x256x128xf32, #tpu.memory_space<vmem>>
        %dma_wait3A_439 = tpu.memref_squeeze %dma_wait3A_438 : memref<1x256x128xf32, #tpu.memory_space<vmem>> -> memref<256x128xf32, #tpu.memory_space<vmem>>
        tpu.wait_dma2 semaphore(%arg10 : memref<!tpu.dma_semaphore, #tpu.memory_space<semaphore_mem>>) src(%dma_wait3A_439 : memref<256x128xf32, #tpu.memory_space<vmem>>) dst(%dma_wait3A_435 : memref<256x128xf32, #tpu.memory_space<hbm>>)
      } else {
      }
      %dma_start3A_208 = arith.constant 2 : i32
      %dma_start3A_209 = arith.constant 1 : i32
      %dma_start3A_210 = arith.constant 0 : i32
      %dma_start3A_211 = arith.constant 0 : i32
      %dma_start3A_212 = tpu.memref_slice %arg6[%dma_start3A_209, %dma_start3A_210, %dma_start3A_211] : memref<2x256x128xf32, #tpu.memory_space<vmem>> -> memref<1x128x128xf32, #tpu.memory_space<vmem>>
      %dma_start3A_213 = tpu.memref_squeeze %dma_start3A_212 : memref<1x128x128xf32, #tpu.memory_space<vmem>> -> memref<128x128xf32, #tpu.memory_space<vmem>>
      %dma_start3A_214 = arith.constant 0 : i32
      %dma_start3A_215 = tpu.memref_slice %arg5[%select_n3A_85, %dma_start3A_208, %dma_start3A_214] : memref<2x8x128xi32, #tpu.memory_space<vmem>> -> memref<1x1x128xi32, #tpu.memory_space<vmem>>
      %dma_start3A_216 = tpu.memref_squeeze %dma_start3A_215 : memref<1x1x128xi32, #tpu.memory_space<vmem>> -> memref<128xi32, #tpu.memory_space<vmem>>
      %dma_start3A_217 = arith.constant 0 : i32
      %dma_start3A_218 = arith.constant 0 : i32
      %dma_start3A_219 = tpu.memref_slice %arg2[%dma_start3A_217, %dma_start3A_218] : memref<100000x128xf32, #tpu.memory_space<hbm>> -> memref<100000x128xf32, #tpu.memory_space<hbm>>
      tpu.enqueue_indirect_dma source(%dma_start3A_219 : memref<100000x128xf32, #tpu.memory_space<hbm>>) target(%dma_start3A_213 : memref<128x128xf32, #tpu.memory_space<vmem>>) offsets(%dma_start3A_216 : memref<128xi32, #tpu.memory_space<vmem>>) semaphore(%arg8 : memref<!tpu.dma_semaphore, #tpu.memory_space<semaphore_mem>>)
      %dma_start3A_220 = arith.constant 3 : i32
      %dma_start3A_221 = arith.constant 1 : i32
      %dma_start3A_222 = arith.constant 128 : i32
      %dma_start3A_223 = arith.constant 0 : i32
      %dma_start3A_224 = tpu.memref_slice %arg6[%dma_start3A_221, %dma_start3A_222, %dma_start3A_223] : memref<2x256x128xf32, #tpu.memory_space<vmem>> -> memref<1x128x128xf32, #tpu.memory_space<vmem>>
      %dma_start3A_225 = tpu.memref_squeeze %dma_start3A_224 : memref<1x128x128xf32, #tpu.memory_space<vmem>> -> memref<128x128xf32, #tpu.memory_space<vmem>>
      %dma_start3A_226 = arith.constant 0 : i32
      %dma_start3A_227 = tpu.memref_slice %arg5[%select_n3A_85, %dma_start3A_220, %dma_start3A_226] : memref<2x8x128xi32, #tpu.memory_space<vmem>> -> memref<1x1x128xi32, #tpu.memory_space<vmem>>
      %dma_start3A_228 = tpu.memref_squeeze %dma_start3A_227 : memref<1x1x128xi32, #tpu.memory_space<vmem>> -> memref<128xi32, #tpu.memory_space<vmem>>
      %dma_start3A_229 = arith.constant 0 : i32
      %dma_start3A_230 = arith.constant 0 : i32
      %dma_start3A_231 = tpu.memref_slice %arg2[%dma_start3A_229, %dma_start3A_230] : memref<100000x128xf32, #tpu.memory_space<hbm>> -> memref<100000x128xf32, #tpu.memory_space<hbm>>
      tpu.enqueue_indirect_dma source(%dma_start3A_231 : memref<100000x128xf32, #tpu.memory_space<hbm>>) target(%dma_start3A_225 : memref<128x128xf32, #tpu.memory_space<vmem>>) offsets(%dma_start3A_228 : memref<128xi32, #tpu.memory_space<vmem>>) semaphore(%arg8 : memref<!tpu.dma_semaphore, #tpu.memory_space<semaphore_mem>>)
      %dma_wait3A_232 = arith.constant 2 : i32
      %dma_wait3A_233 = arith.constant 1 : i32
      %dma_wait3A_234 = arith.constant 0 : i32
      %dma_wait3A_235 = arith.constant 0 : i32
      %dma_wait3A_236 = tpu.memref_slice %arg6[%dma_wait3A_233, %dma_wait3A_234, %dma_wait3A_235] : memref<2x256x128xf32, #tpu.memory_space<vmem>> -> memref<1x128x128xf32, #tpu.memory_space<vmem>>
      %dma_wait3A_237 = tpu.memref_squeeze %dma_wait3A_236 : memref<1x128x128xf32, #tpu.memory_space<vmem>> -> memref<128x128xf32, #tpu.memory_space<vmem>>
      %dma_wait3A_238 = arith.constant 0 : i32
      %dma_wait3A_239 = tpu.memref_slice %arg5[%select_n3A_85, %dma_wait3A_232, %dma_wait3A_238] : memref<2x8x128xi32, #tpu.memory_space<vmem>> -> memref<1x1x128xi32, #tpu.memory_space<vmem>>
      %dma_wait3A_240 = tpu.memref_squeeze %dma_wait3A_239 : memref<1x1x128xi32, #tpu.memory_space<vmem>> -> memref<128xi32, #tpu.memory_space<vmem>>
      %dma_wait3A_241 = arith.constant 0 : i32
      %dma_wait3A_242 = arith.constant 0 : i32
      %dma_wait3A_243 = tpu.memref_slice %arg2[%dma_wait3A_241, %dma_wait3A_242] : memref<100000x128xf32, #tpu.memory_space<hbm>> -> memref<100000x128xf32, #tpu.memory_space<hbm>>
      tpu.wait_indirect_dma semaphore(%arg8 : memref<!tpu.dma_semaphore, #tpu.memory_space<semaphore_mem>>) src(%dma_wait3A_243 : memref<100000x128xf32, #tpu.memory_space<hbm>>) dst(%dma_wait3A_237 : memref<128x128xf32, #tpu.memory_space<vmem>>)
      %dma_wait3A_244 = arith.constant 3 : i32
      %dma_wait3A_245 = arith.constant 1 : i32
      %dma_wait3A_246 = arith.constant 128 : i32
      %dma_wait3A_247 = arith.constant 0 : i32
      %dma_wait3A_248 = tpu.memref_slice %arg6[%dma_wait3A_245, %dma_wait3A_246, %dma_wait3A_247] : memref<2x256x128xf32, #tpu.memory_space<vmem>> -> memref<1x128x128xf32, #tpu.memory_space<vmem>>
      %dma_wait3A_249 = tpu.memref_squeeze %dma_wait3A_248 : memref<1x128x128xf32, #tpu.memory_space<vmem>> -> memref<128x128xf32, #tpu.memory_space<vmem>>
      %dma_wait3A_250 = arith.constant 0 : i32
      %dma_wait3A_251 = tpu.memref_slice %arg5[%select_n3A_85, %dma_wait3A_244, %dma_wait3A_250] : memref<2x8x128xi32, #tpu.memory_space<vmem>> -> memref<1x1x128xi32, #tpu.memory_space<vmem>>
      %dma_wait3A_252 = tpu.memref_squeeze %dma_wait3A_251 : memref<1x1x128xi32, #tpu.memory_space<vmem>> -> memref<128xi32, #tpu.memory_space<vmem>>
      %dma_wait3A_253 = arith.constant 0 : i32
      %dma_wait3A_254 = arith.constant 0 : i32
      %dma_wait3A_255 = tpu.memref_slice %arg2[%dma_wait3A_253, %dma_wait3A_254] : memref<100000x128xf32, #tpu.memory_space<hbm>> -> memref<100000x128xf32, #tpu.memory_space<hbm>>
      tpu.wait_indirect_dma semaphore(%arg8 : memref<!tpu.dma_semaphore, #tpu.memory_space<semaphore_mem>>) src(%dma_wait3A_255 : memref<100000x128xf32, #tpu.memory_space<hbm>>) dst(%dma_wait3A_249 : memref<128x128xf32, #tpu.memory_space<vmem>>)
      %dma_start3A_256 = arith.constant 1 : i32
      %dma_start3A_257 = arith.constant 0 : i32
      %dma_start3A_258 = arith.constant 0 : i32
      %dma_start3A_259 = tpu.memref_slice %arg6[%dma_start3A_256, %dma_start3A_257, %dma_start3A_258] : memref<2x256x128xf32, #tpu.memory_space<vmem>> -> memref<1x256x128xf32, #tpu.memory_space<vmem>>
      %dma_start3A_260 = tpu.memref_squeeze %dma_start3A_259 : memref<1x256x128xf32, #tpu.memory_space<vmem>> -> memref<256x128xf32, #tpu.memory_space<vmem>>
      %dma_start3A_261 = arith.constant 0 : i32
      %dma_start3A_262 = tpu.memref_slice %arg4[%add3A_202, %dma_start3A_261] : memref<819200x128xf32, #tpu.memory_space<hbm>> -> memref<256x128xf32, #tpu.memory_space<hbm>>
      %dma_start3A_263 = arith.constant 0 : i32
      %dma_start3A_264 = tpu.memref_slice %arg4[%add3A_202, %dma_start3A_263] : memref<819200x128xf32, #tpu.memory_space<hbm>> -> memref<256x128xf32, #tpu.memory_space<hbm>>
      %dma_start3A_265 = arith.constant 0 : i32
      %dma_start3A_266 = arith.constant 0 : i32
      %dma_start3A_267 = tpu.memref_slice %arg6[%dma_start3A_256, %dma_start3A_265, %dma_start3A_266] : memref<2x256x128xf32, #tpu.memory_space<vmem>> -> memref<1x256x128xf32, #tpu.memory_space<vmem>>
      %dma_start3A_268 = tpu.memref_squeeze %dma_start3A_267 : memref<1x256x128xf32, #tpu.memory_space<vmem>> -> memref<256x128xf32, #tpu.memory_space<vmem>>
      tpu.enqueue_dma source(%dma_start3A_268 : memref<256x128xf32, #tpu.memory_space<vmem>>) target(%dma_start3A_264 : memref<256x128xf32, #tpu.memory_space<hbm>>) target_semaphore(%arg10 : memref<!tpu.dma_semaphore, #tpu.memory_space<semaphore_mem>>)
      %add3A_269 = arith.constant 512 : i32
      %add3A_270 = arith.addi %add3A_88, %add3A_269 : i32
      %sub3A_271 = arith.constant 512 : i32
      %sub3A_272 = arith.subi %add3A_270, %sub3A_271 : i32
      %dma_wait3A_273 = arith.constant 0 : i32
      %dma_wait3A_274 = arith.constant 0 : i32
      %dma_wait3A_275 = arith.constant 0 : i32
      %dma_wait3A_276 = tpu.memref_slice %arg6[%dma_wait3A_273, %dma_wait3A_274, %dma_wait3A_275] : memref<2x256x128xf32, #tpu.memory_space<vmem>> -> memref<1x256x128xf32, #tpu.memory_space<vmem>>
      %dma_wait3A_277 = tpu.memref_squeeze %dma_wait3A_276 : memref<1x256x128xf32, #tpu.memory_space<vmem>> -> memref<256x128xf32, #tpu.memory_space<vmem>>
      %dma_wait3A_278 = arith.constant 0 : i32
      %dma_wait3A_279 = tpu.memref_slice %arg4[%sub3A_272, %dma_wait3A_278] : memref<819200x128xf32, #tpu.memory_space<hbm>> -> memref<256x128xf32, #tpu.memory_space<hbm>>
      %dma_wait3A_280 = arith.constant 0 : i32
      %dma_wait3A_281 = tpu.memref_slice %arg4[%sub3A_272, %dma_wait3A_280] : memref<819200x128xf32, #tpu.memory_space<hbm>> -> memref<256x128xf32, #tpu.memory_space<hbm>>
      %dma_wait3A_282 = arith.constant 0 : i32
      %dma_wait3A_283 = arith.constant 0 : i32
      %dma_wait3A_284 = tpu.memref_slice %arg6[%dma_wait3A_273, %dma_wait3A_282, %dma_wait3A_283] : memref<2x256x128xf32, #tpu.memory_space<vmem>> -> memref<1x256x128xf32, #tpu.memory_space<vmem>>
      %dma_wait3A_285 = tpu.memref_squeeze %dma_wait3A_284 : memref<1x256x128xf32, #tpu.memory_space<vmem>> -> memref<256x128xf32, #tpu.memory_space<vmem>>
      tpu.wait_dma2 semaphore(%arg9 : memref<!tpu.dma_semaphore, #tpu.memory_space<semaphore_mem>>) src(%dma_wait3A_285 : memref<256x128xf32, #tpu.memory_space<vmem>>) dst(%dma_wait3A_281 : memref<256x128xf32, #tpu.memory_space<hbm>>)
      %dma_start3A_286 = arith.constant 4 : i32
      %dma_start3A_287 = arith.constant 0 : i32
      %dma_start3A_288 = arith.constant 0 : i32
      %dma_start3A_289 = arith.constant 0 : i32
      %dma_start3A_290 = tpu.memref_slice %arg6[%dma_start3A_287, %dma_start3A_288, %dma_start3A_289] : memref<2x256x128xf32, #tpu.memory_space<vmem>> -> memref<1x128x128xf32, #tpu.memory_space<vmem>>
      %dma_start3A_291 = tpu.memref_squeeze %dma_start3A_290 : memref<1x128x128xf32, #tpu.memory_space<vmem>> -> memref<128x128xf32, #tpu.memory_space<vmem>>
      %dma_start3A_292 = arith.constant 0 : i32
      %dma_start3A_293 = tpu.memref_slice %arg5[%select_n3A_85, %dma_start3A_286, %dma_start3A_292] : memref<2x8x128xi32, #tpu.memory_space<vmem>> -> memref<1x1x128xi32, #tpu.memory_space<vmem>>
      %dma_start3A_294 = tpu.memref_squeeze %dma_start3A_293 : memref<1x1x128xi32, #tpu.memory_space<vmem>> -> memref<128xi32, #tpu.memory_space<vmem>>
      %dma_start3A_295 = arith.constant 0 : i32
      %dma_start3A_296 = arith.constant 0 : i32
      %dma_start3A_297 = tpu.memref_slice %arg2[%dma_start3A_295, %dma_start3A_296] : memref<100000x128xf32, #tpu.memory_space<hbm>> -> memref<100000x128xf32, #tpu.memory_space<hbm>>
      tpu.enqueue_indirect_dma source(%dma_start3A_297 : memref<100000x128xf32, #tpu.memory_space<hbm>>) target(%dma_start3A_291 : memref<128x128xf32, #tpu.memory_space<vmem>>) offsets(%dma_start3A_294 : memref<128xi32, #tpu.memory_space<vmem>>) semaphore(%arg8 : memref<!tpu.dma_semaphore, #tpu.memory_space<semaphore_mem>>)
      %dma_start3A_298 = arith.constant 5 : i32
      %dma_start3A_299 = arith.constant 0 : i32
      %dma_start3A_300 = arith.constant 128 : i32
      %dma_start3A_301 = arith.constant 0 : i32
      %dma_start3A_302 = tpu.memref_slice %arg6[%dma_start3A_299, %dma_start3A_300, %dma_start3A_301] : memref<2x256x128xf32, #tpu.memory_space<vmem>> -> memref<1x128x128xf32, #tpu.memory_space<vmem>>
      %dma_start3A_303 = tpu.memref_squeeze %dma_start3A_302 : memref<1x128x128xf32, #tpu.memory_space<vmem>> -> memref<128x128xf32, #tpu.memory_space<vmem>>
      %dma_start3A_304 = arith.constant 0 : i32
      %dma_start3A_305 = tpu.memref_slice %arg5[%select_n3A_85, %dma_start3A_298, %dma_start3A_304] : memref<2x8x128xi32, #tpu.memory_space<vmem>> -> memref<1x1x128xi32, #tpu.memory_space<vmem>>
      %dma_start3A_306 = tpu.memref_squeeze %dma_start3A_305 : memref<1x1x128xi32, #tpu.memory_space<vmem>> -> memref<128xi32, #tpu.memory_space<vmem>>
      %dma_start3A_307 = arith.constant 0 : i32
      %dma_start3A_308 = arith.constant 0 : i32
      %dma_start3A_309 = tpu.memref_slice %arg2[%dma_start3A_307, %dma_start3A_308] : memref<100000x128xf32, #tpu.memory_space<hbm>> -> memref<100000x128xf32, #tpu.memory_space<hbm>>
      tpu.enqueue_indirect_dma source(%dma_start3A_309 : memref<100000x128xf32, #tpu.memory_space<hbm>>) target(%dma_start3A_303 : memref<128x128xf32, #tpu.memory_space<vmem>>) offsets(%dma_start3A_306 : memref<128xi32, #tpu.memory_space<vmem>>) semaphore(%arg8 : memref<!tpu.dma_semaphore, #tpu.memory_space<semaphore_mem>>)
      %dma_wait3A_310 = arith.constant 4 : i32
      %dma_wait3A_311 = arith.constant 0 : i32
      %dma_wait3A_312 = arith.constant 0 : i32
      %dma_wait3A_313 = arith.constant 0 : i32
      %dma_wait3A_314 = tpu.memref_slice %arg6[%dma_wait3A_311, %dma_wait3A_312, %dma_wait3A_313] : memref<2x256x128xf32, #tpu.memory_space<vmem>> -> memref<1x128x128xf32, #tpu.memory_space<vmem>>
      %dma_wait3A_315 = tpu.memref_squeeze %dma_wait3A_314 : memref<1x128x128xf32, #tpu.memory_space<vmem>> -> memref<128x128xf32, #tpu.memory_space<vmem>>
      %dma_wait3A_316 = arith.constant 0 : i32
      %dma_wait3A_317 = tpu.memref_slice %arg5[%select_n3A_85, %dma_wait3A_310, %dma_wait3A_316] : memref<2x8x128xi32, #tpu.memory_space<vmem>> -> memref<1x1x128xi32, #tpu.memory_space<vmem>>
      %dma_wait3A_318 = tpu.memref_squeeze %dma_wait3A_317 : memref<1x1x128xi32, #tpu.memory_space<vmem>> -> memref<128xi32, #tpu.memory_space<vmem>>
      %dma_wait3A_319 = arith.constant 0 : i32
      %dma_wait3A_320 = arith.constant 0 : i32
      %dma_wait3A_321 = tpu.memref_slice %arg2[%dma_wait3A_319, %dma_wait3A_320] : memref<100000x128xf32, #tpu.memory_space<hbm>> -> memref<100000x128xf32, #tpu.memory_space<hbm>>
      tpu.wait_indirect_dma semaphore(%arg8 : memref<!tpu.dma_semaphore, #tpu.memory_space<semaphore_mem>>) src(%dma_wait3A_321 : memref<100000x128xf32, #tpu.memory_space<hbm>>) dst(%dma_wait3A_315 : memref<128x128xf32, #tpu.memory_space<vmem>>)
      %dma_wait3A_322 = arith.constant 5 : i32
      %dma_wait3A_323 = arith.constant 0 : i32
      %dma_wait3A_324 = arith.constant 128 : i32
      %dma_wait3A_325 = arith.constant 0 : i32
      %dma_wait3A_326 = tpu.memref_slice %arg6[%dma_wait3A_323, %dma_wait3A_324, %dma_wait3A_325] : memref<2x256x128xf32, #tpu.memory_space<vmem>> -> memref<1x128x128xf32, #tpu.memory_space<vmem>>
      %dma_wait3A_327 = tpu.memref_squeeze %dma_wait3A_326 : memref<1x128x128xf32, #tpu.memory_space<vmem>> -> memref<128x128xf32, #tpu.memory_space<vmem>>
      %dma_wait3A_328 = arith.constant 0 : i32
      %dma_wait3A_329 = tpu.memref_slice %arg5[%select_n3A_85, %dma_wait3A_322, %dma_wait3A_328] : memref<2x8x128xi32, #tpu.memory_space<vmem>> -> memref<1x1x128xi32, #tpu.memory_space<vmem>>
      %dma_wait3A_330 = tpu.memref_squeeze %dma_wait3A_329 : memref<1x1x128xi32, #tpu.memory_space<vmem>> -> memref<128xi32, #tpu.memory_space<vmem>>
      %dma_wait3A_331 = arith.constant 0 : i32
      %dma_wait3A_332 = arith.constant 0 : i32
      %dma_wait3A_333 = tpu.memref_slice %arg2[%dma_wait3A_331, %dma_wait3A_332] : memref<100000x128xf32, #tpu.memory_space<hbm>> -> memref<100000x128xf32, #tpu.memory_space<hbm>>
      tpu.wait_indirect_dma semaphore(%arg8 : memref<!tpu.dma_semaphore, #tpu.memory_space<semaphore_mem>>) src(%dma_wait3A_333 : memref<100000x128xf32, #tpu.memory_space<hbm>>) dst(%dma_wait3A_327 : memref<128x128xf32, #tpu.memory_space<vmem>>)
      %dma_start3A_334 = arith.constant 0 : i32
      %dma_start3A_335 = arith.constant 0 : i32
      %dma_start3A_336 = arith.constant 0 : i32
      %dma_start3A_337 = tpu.memref_slice %arg6[%dma_start3A_334, %dma_start3A_335, %dma_start3A_336] : memref<2x256x128xf32, #tpu.memory_space<vmem>> -> memref<1x256x128xf32, #tpu.memory_space<vmem>>
      %dma_start3A_338 = tpu.memref_squeeze %dma_start3A_337 : memref<1x256x128xf32, #tpu.memory_space<vmem>> -> memref<256x128xf32, #tpu.memory_space<vmem>>
      %dma_start3A_339 = arith.constant 0 : i32
      %dma_start3A_340 = tpu.memref_slice %arg4[%add3A_270, %dma_start3A_339] : memref<819200x128xf32, #tpu.memory_space<hbm>> -> memref<256x128xf32, #tpu.memory_space<hbm>>
      %dma_start3A_341 = arith.constant 0 : i32
      %dma_start3A_342 = tpu.memref_slice %arg4[%add3A_270, %dma_start3A_341] : memref<819200x128xf32, #tpu.memory_space<hbm>> -> memref<256x128xf32, #tpu.memory_space<hbm>>
      %dma_start3A_343 = arith.constant 0 : i32
      %dma_start3A_344 = arith.constant 0 : i32
      %dma_start3A_345 = tpu.memref_slice %arg6[%dma_start3A_334, %dma_start3A_343, %dma_start3A_344] : memref<2x256x128xf32, #tpu.memory_space<vmem>> -> memref<1x256x128xf32, #tpu.memory_space<vmem>>
      %dma_start3A_346 = tpu.memref_squeeze %dma_start3A_345 : memref<1x256x128xf32, #tpu.memory_space<vmem>> -> memref<256x128xf32, #tpu.memory_space<vmem>>
      tpu.enqueue_dma source(%dma_start3A_346 : memref<256x128xf32, #tpu.memory_space<vmem>>) target(%dma_start3A_342 : memref<256x128xf32, #tpu.memory_space<hbm>>) target_semaphore(%arg9 : memref<!tpu.dma_semaphore, #tpu.memory_space<semaphore_mem>>)
      %add3A_347 = arith.constant 768 : i32
      %add3A_348 = arith.addi %add3A_88, %add3A_347 : i32
      %sub3A_349 = arith.constant 512 : i32
      %sub3A_350 = arith.subi %add3A_348, %sub3A_349 : i32
      %dma_wait3A_351 = arith.constant 1 : i32
      %dma_wait3A_352 = arith.constant 0 : i32
      %dma_wait3A_353 = arith.constant 0 : i32
      %dma_wait3A_354 = tpu.memref_slice %arg6[%dma_wait3A_351, %dma_wait3A_352, %dma_wait3A_353] : memref<2x256x128xf32, #tpu.memory_space<vmem>> -> memref<1x256x128xf32, #tpu.memory_space<vmem>>
      %dma_wait3A_355 = tpu.memref_squeeze %dma_wait3A_354 : memref<1x256x128xf32, #tpu.memory_space<vmem>> -> memref<256x128xf32, #tpu.memory_space<vmem>>
      %dma_wait3A_356 = arith.constant 0 : i32
      %dma_wait3A_357 = tpu.memref_slice %arg4[%sub3A_350, %dma_wait3A_356] : memref<819200x128xf32, #tpu.memory_space<hbm>> -> memref<256x128xf32, #tpu.memory_space<hbm>>
      %dma_wait3A_358 = arith.constant 0 : i32
      %dma_wait3A_359 = tpu.memref_slice %arg4[%sub3A_350, %dma_wait3A_358] : memref<819200x128xf32, #tpu.memory_space<hbm>> -> memref<256x128xf32, #tpu.memory_space<hbm>>
      %dma_wait3A_360 = arith.constant 0 : i32
      %dma_wait3A_361 = arith.constant 0 : i32
      %dma_wait3A_362 = tpu.memref_slice %arg6[%dma_wait3A_351, %dma_wait3A_360, %dma_wait3A_361] : memref<2x256x128xf32, #tpu.memory_space<vmem>> -> memref<1x256x128xf32, #tpu.memory_space<vmem>>
      %dma_wait3A_363 = tpu.memref_squeeze %dma_wait3A_362 : memref<1x256x128xf32, #tpu.memory_space<vmem>> -> memref<256x128xf32, #tpu.memory_space<vmem>>
      tpu.wait_dma2 semaphore(%arg10 : memref<!tpu.dma_semaphore, #tpu.memory_space<semaphore_mem>>) src(%dma_wait3A_363 : memref<256x128xf32, #tpu.memory_space<vmem>>) dst(%dma_wait3A_359 : memref<256x128xf32, #tpu.memory_space<hbm>>)
      %dma_start3A_364 = arith.constant 6 : i32
      %dma_start3A_365 = arith.constant 1 : i32
      %dma_start3A_366 = arith.constant 0 : i32
      %dma_start3A_367 = arith.constant 0 : i32
      %dma_start3A_368 = tpu.memref_slice %arg6[%dma_start3A_365, %dma_start3A_366, %dma_start3A_367] : memref<2x256x128xf32, #tpu.memory_space<vmem>> -> memref<1x128x128xf32, #tpu.memory_space<vmem>>
      %dma_start3A_369 = tpu.memref_squeeze %dma_start3A_368 : memref<1x128x128xf32, #tpu.memory_space<vmem>> -> memref<128x128xf32, #tpu.memory_space<vmem>>
      %dma_start3A_370 = arith.constant 0 : i32
      %dma_start3A_371 = tpu.memref_slice %arg5[%select_n3A_85, %dma_start3A_364, %dma_start3A_370] : memref<2x8x128xi32, #tpu.memory_space<vmem>> -> memref<1x1x128xi32, #tpu.memory_space<vmem>>
      %dma_start3A_372 = tpu.memref_squeeze %dma_start3A_371 : memref<1x1x128xi32, #tpu.memory_space<vmem>> -> memref<128xi32, #tpu.memory_space<vmem>>
      %dma_start3A_373 = arith.constant 0 : i32
      %dma_start3A_374 = arith.constant 0 : i32
      %dma_start3A_375 = tpu.memref_slice %arg2[%dma_start3A_373, %dma_start3A_374] : memref<100000x128xf32, #tpu.memory_space<hbm>> -> memref<100000x128xf32, #tpu.memory_space<hbm>>
      tpu.enqueue_indirect_dma source(%dma_start3A_375 : memref<100000x128xf32, #tpu.memory_space<hbm>>) target(%dma_start3A_369 : memref<128x128xf32, #tpu.memory_space<vmem>>) offsets(%dma_start3A_372 : memref<128xi32, #tpu.memory_space<vmem>>) semaphore(%arg8 : memref<!tpu.dma_semaphore, #tpu.memory_space<semaphore_mem>>)
      %dma_start3A_376 = arith.constant 7 : i32
      %dma_start3A_377 = arith.constant 1 : i32
      %dma_start3A_378 = arith.constant 128 : i32
      %dma_start3A_379 = arith.constant 0 : i32
      %dma_start3A_380 = tpu.memref_slice %arg6[%dma_start3A_377, %dma_start3A_378, %dma_start3A_379] : memref<2x256x128xf32, #tpu.memory_space<vmem>> -> memref<1x128x128xf32, #tpu.memory_space<vmem>>
      %dma_start3A_381 = tpu.memref_squeeze %dma_start3A_380 : memref<1x128x128xf32, #tpu.memory_space<vmem>> -> memref<128x128xf32, #tpu.memory_space<vmem>>
      %dma_start3A_382 = arith.constant 0 : i32
      %dma_start3A_383 = tpu.memref_slice %arg5[%select_n3A_85, %dma_start3A_376, %dma_start3A_382] : memref<2x8x128xi32, #tpu.memory_space<vmem>> -> memref<1x1x128xi32, #tpu.memory_space<vmem>>
      %dma_start3A_384 = tpu.memref_squeeze %dma_start3A_383 : memref<1x1x128xi32, #tpu.memory_space<vmem>> -> memref<128xi32, #tpu.memory_space<vmem>>
      %dma_start3A_385 = arith.constant 0 : i32
      %dma_start3A_386 = arith.constant 0 : i32
      %dma_start3A_387 = tpu.memref_slice %arg2[%dma_start3A_385, %dma_start3A_386] : memref<100000x128xf32, #tpu.memory_space<hbm>> -> memref<100000x128xf32, #tpu.memory_space<hbm>>
      tpu.enqueue_indirect_dma source(%dma_start3A_387 : memref<100000x128xf32, #tpu.memory_space<hbm>>) target(%dma_start3A_381 : memref<128x128xf32, #tpu.memory_space<vmem>>) offsets(%dma_start3A_384 : memref<128xi32, #tpu.memory_space<vmem>>) semaphore(%arg8 : memref<!tpu.dma_semaphore, #tpu.memory_space<semaphore_mem>>)
      %dma_wait3A_388 = arith.constant 6 : i32
      %dma_wait3A_389 = arith.constant 1 : i32
      %dma_wait3A_390 = arith.constant 0 : i32
      %dma_wait3A_391 = arith.constant 0 : i32
      %dma_wait3A_392 = tpu.memref_slice %arg6[%dma_wait3A_389, %dma_wait3A_390, %dma_wait3A_391] : memref<2x256x128xf32, #tpu.memory_space<vmem>> -> memref<1x128x128xf32, #tpu.memory_space<vmem>>
      %dma_wait3A_393 = tpu.memref_squeeze %dma_wait3A_392 : memref<1x128x128xf32, #tpu.memory_space<vmem>> -> memref<128x128xf32, #tpu.memory_space<vmem>>
      %dma_wait3A_394 = arith.constant 0 : i32
      %dma_wait3A_395 = tpu.memref_slice %arg5[%select_n3A_85, %dma_wait3A_388, %dma_wait3A_394] : memref<2x8x128xi32, #tpu.memory_space<vmem>> -> memref<1x1x128xi32, #tpu.memory_space<vmem>>
      %dma_wait3A_396 = tpu.memref_squeeze %dma_wait3A_395 : memref<1x1x128xi32, #tpu.memory_space<vmem>> -> memref<128xi32, #tpu.memory_space<vmem>>
      %dma_wait3A_397 = arith.constant 0 : i32
      %dma_wait3A_398 = arith.constant 0 : i32
      %dma_wait3A_399 = tpu.memref_slice %arg2[%dma_wait3A_397, %dma_wait3A_398] : memref<100000x128xf32, #tpu.memory_space<hbm>> -> memref<100000x128xf32, #tpu.memory_space<hbm>>
      tpu.wait_indirect_dma semaphore(%arg8 : memref<!tpu.dma_semaphore, #tpu.memory_space<semaphore_mem>>) src(%dma_wait3A_399 : memref<100000x128xf32, #tpu.memory_space<hbm>>) dst(%dma_wait3A_393 : memref<128x128xf32, #tpu.memory_space<vmem>>)
      %dma_wait3A_400 = arith.constant 7 : i32
      %dma_wait3A_401 = arith.constant 1 : i32
      %dma_wait3A_402 = arith.constant 128 : i32
      %dma_wait3A_403 = arith.constant 0 : i32
      %dma_wait3A_404 = tpu.memref_slice %arg6[%dma_wait3A_401, %dma_wait3A_402, %dma_wait3A_403] : memref<2x256x128xf32, #tpu.memory_space<vmem>> -> memref<1x128x128xf32, #tpu.memory_space<vmem>>
      %dma_wait3A_405 = tpu.memref_squeeze %dma_wait3A_404 : memref<1x128x128xf32, #tpu.memory_space<vmem>> -> memref<128x128xf32, #tpu.memory_space<vmem>>
      %dma_wait3A_406 = arith.constant 0 : i32
      %dma_wait3A_407 = tpu.memref_slice %arg5[%select_n3A_85, %dma_wait3A_400, %dma_wait3A_406] : memref<2x8x128xi32, #tpu.memory_space<vmem>> -> memref<1x1x128xi32, #tpu.memory_space<vmem>>
      %dma_wait3A_408 = tpu.memref_squeeze %dma_wait3A_407 : memref<1x1x128xi32, #tpu.memory_space<vmem>> -> memref<128xi32, #tpu.memory_space<vmem>>
      %dma_wait3A_409 = arith.constant 0 : i32
      %dma_wait3A_410 = arith.constant 0 : i32
      %dma_wait3A_411 = tpu.memref_slice %arg2[%dma_wait3A_409, %dma_wait3A_410] : memref<100000x128xf32, #tpu.memory_space<hbm>> -> memref<100000x128xf32, #tpu.memory_space<hbm>>
      tpu.wait_indirect_dma semaphore(%arg8 : memref<!tpu.dma_semaphore, #tpu.memory_space<semaphore_mem>>) src(%dma_wait3A_411 : memref<100000x128xf32, #tpu.memory_space<hbm>>) dst(%dma_wait3A_405 : memref<128x128xf32, #tpu.memory_space<vmem>>)
      %dma_start3A_412 = arith.constant 1 : i32
      %dma_start3A_413 = arith.constant 0 : i32
      %dma_start3A_414 = arith.constant 0 : i32
      %dma_start3A_415 = tpu.memref_slice %arg6[%dma_start3A_412, %dma_start3A_413, %dma_start3A_414] : memref<2x256x128xf32, #tpu.memory_space<vmem>> -> memref<1x256x128xf32, #tpu.memory_space<vmem>>
      %dma_start3A_416 = tpu.memref_squeeze %dma_start3A_415 : memref<1x256x128xf32, #tpu.memory_space<vmem>> -> memref<256x128xf32, #tpu.memory_space<vmem>>
      %dma_start3A_417 = arith.constant 0 : i32
      %dma_start3A_418 = tpu.memref_slice %arg4[%add3A_348, %dma_start3A_417] : memref<819200x128xf32, #tpu.memory_space<hbm>> -> memref<256x128xf32, #tpu.memory_space<hbm>>
      %dma_start3A_419 = arith.constant 0 : i32
      %dma_start3A_420 = tpu.memref_slice %arg4[%add3A_348, %dma_start3A_419] : memref<819200x128xf32, #tpu.memory_space<hbm>> -> memref<256x128xf32, #tpu.memory_space<hbm>>
      %dma_start3A_421 = arith.constant 0 : i32
      %dma_start3A_422 = arith.constant 0 : i32
      %dma_start3A_423 = tpu.memref_slice %arg6[%dma_start3A_412, %dma_start3A_421, %dma_start3A_422] : memref<2x256x128xf32, #tpu.memory_space<vmem>> -> memref<1x256x128xf32, #tpu.memory_space<vmem>>
      %dma_start3A_424 = tpu.memref_squeeze %dma_start3A_423 : memref<1x256x128xf32, #tpu.memory_space<vmem>> -> memref<256x128xf32, #tpu.memory_space<vmem>>
      tpu.enqueue_dma source(%dma_start3A_424 : memref<256x128xf32, #tpu.memory_space<vmem>>) target(%dma_start3A_420 : memref<256x128xf32, #tpu.memory_space<hbm>>) target_semaphore(%arg10 : memref<!tpu.dma_semaphore, #tpu.memory_space<semaphore_mem>>)
    }
    %scan3A_37 = arith.constant 25 : i32
    %add3A_38 = arith.constant 25600 : i32
    %add3A_39 = arith.addi %mul3A_2, %add3A_38 : i32
    %sub3A_40 = arith.constant 512 : i32
    %sub3A_41 = arith.subi %add3A_39, %sub3A_40 : i32
    %dma_wait3A = arith.constant 0 : i32
    %dma_wait3A_42 = arith.constant 0 : i32
    %dma_wait3A_43 = arith.constant 0 : i32
    %dma_wait3A_44 = tpu.memref_slice %arg6[%dma_wait3A, %dma_wait3A_42, %dma_wait3A_43] : memref<2x256x128xf32, #tpu.memory_space<vmem>> -> memref<1x256x128xf32, #tpu.memory_space<vmem>>
    %dma_wait3A_45 = tpu.memref_squeeze %dma_wait3A_44 : memref<1x256x128xf32, #tpu.memory_space<vmem>> -> memref<256x128xf32, #tpu.memory_space<vmem>>
    %dma_wait3A_46 = arith.constant 0 : i32
    %dma_wait3A_47 = tpu.memref_slice %arg4[%sub3A_41, %dma_wait3A_46] : memref<819200x128xf32, #tpu.memory_space<hbm>> -> memref<256x128xf32, #tpu.memory_space<hbm>>
    %dma_wait3A_48 = arith.constant 0 : i32
    %dma_wait3A_49 = tpu.memref_slice %arg4[%sub3A_41, %dma_wait3A_48] : memref<819200x128xf32, #tpu.memory_space<hbm>> -> memref<256x128xf32, #tpu.memory_space<hbm>>
    %dma_wait3A_50 = arith.constant 0 : i32
    %dma_wait3A_51 = arith.constant 0 : i32
    %dma_wait3A_52 = tpu.memref_slice %arg6[%dma_wait3A, %dma_wait3A_50, %dma_wait3A_51] : memref<2x256x128xf32, #tpu.memory_space<vmem>> -> memref<1x256x128xf32, #tpu.memory_space<vmem>>
    %dma_wait3A_53 = tpu.memref_squeeze %dma_wait3A_52 : memref<1x256x128xf32, #tpu.memory_space<vmem>> -> memref<256x128xf32, #tpu.memory_space<vmem>>
    tpu.wait_dma2 semaphore(%arg9 : memref<!tpu.dma_semaphore, #tpu.memory_space<semaphore_mem>>) src(%dma_wait3A_53 : memref<256x128xf32, #tpu.memory_space<vmem>>) dst(%dma_wait3A_49 : memref<256x128xf32, #tpu.memory_space<hbm>>)
    %add3A_54 = arith.constant 25600 : i32
    %add3A_55 = arith.addi %mul3A_2, %add3A_54 : i32
    %sub3A_56 = arith.constant 256 : i32
    %sub3A_57 = arith.subi %add3A_55, %sub3A_56 : i32
    %dma_wait3A_58 = arith.constant 1 : i32
    %dma_wait3A_59 = arith.constant 0 : i32
    %dma_wait3A_60 = arith.constant 0 : i32
    %dma_wait3A_61 = tpu.memref_slice %arg6[%dma_wait3A_58, %dma_wait3A_59, %dma_wait3A_60] : memref<2x256x128xf32, #tpu.memory_space<vmem>> -> memref<1x256x128xf32, #tpu.memory_space<vmem>>
    %dma_wait3A_62 = tpu.memref_squeeze %dma_wait3A_61 : memref<1x256x128xf32, #tpu.memory_space<vmem>> -> memref<256x128xf32, #tpu.memory_space<vmem>>
    %dma_wait3A_63 = arith.constant 0 : i32
    %dma_wait3A_64 = tpu.memref_slice %arg4[%sub3A_57, %dma_wait3A_63] : memref<819200x128xf32, #tpu.memory_space<hbm>> -> memref<256x128xf32, #tpu.memory_space<hbm>>
    %dma_wait3A_65 = arith.constant 0 : i32
    %dma_wait3A_66 = tpu.memref_slice %arg4[%sub3A_57, %dma_wait3A_65] : memref<819200x128xf32, #tpu.memory_space<hbm>> -> memref<256x128xf32, #tpu.memory_space<hbm>>
    %dma_wait3A_67 = arith.constant 0 : i32
    %dma_wait3A_68 = arith.constant 0 : i32
    %dma_wait3A_69 = tpu.memref_slice %arg6[%dma_wait3A_58, %dma_wait3A_67, %dma_wait3A_68] : memref<2x256x128xf32, #tpu.memory_space<vmem>> -> memref<1x256x128xf32, #tpu.memory_space<vmem>>
    %dma_wait3A_70 = tpu.memref_squeeze %dma_wait3A_69 : memref<1x256x128xf32, #tpu.memory_space<vmem>> -> memref<256x128xf32, #tpu.memory_space<vmem>>
    tpu.wait_dma2 semaphore(%arg10 : memref<!tpu.dma_semaphore, #tpu.memory_space<semaphore_mem>>) src(%dma_wait3A_70 : memref<256x128xf32, #tpu.memory_space<vmem>>) dst(%dma_wait3A_66 : memref<256x128xf32, #tpu.memory_space<hbm>>)
    return
  }
}

</mosaic_0001>

<sc_bundles>
// kernel: kernel.3.cloned.1.call-start
scs
__scs_entry_jumppad:
0x0: {  	(pc) =	sbr.rel $0x88, $3  }
0x1: {  	(tag) =	ssettag $0x0;
	lr =	simm.s32 $0x1  }
0x2: {  	[smem:$0x3F9F] =	sst lr;
	_ =	strace $0xD0000000  }
0x3: {  	_ = 	snop  }
0x4: {  	_ = 	snop  }
0x5: {  	_ = 	snop  }
0x6: {  	_ = 	snop  }
0x7: {  	_ = 	snop  }
__scs_overlays_trampoline_lowered:
0x8: {  	[smem:$0x3FAE] =	sst s0  }
0x9: {  	[smem:$0x3FAF] =	sst s1  }
0xa: {  	[smem:$0x3FB0] =	sst s2  }
0xb: {  	[smem:$0x3FB1] =	sst s3  }
0xc: {  	[smem:$0x3FB2] =	sst s4  }
0xd: {  	[smem:$0x3FB3] =	sst s5  }
0xe: {  	[smem:$0x3FB4] =	sst s6  }
0xf: {  	[smem:$0x3FB5] =	sst s7  }
0x10: {  	[smem:$0x3FB6] =	sst s8  }
0x11: {  	[smem:$0x3FB7] =	sst s9;
	s0 =	simm.s32 @!p0 $0x0  }
0x12: {  	s1 =	sld [smem:$0x3F9D];
	s0 =	simm.s32 @p0 $0x1  }
0x13: {  	[smem:$0x3FB8] =	sst s0;
	s0 =	simm.s32 @!p1 $0x0  }
0x14: {  	s2 =	sld [smem:$0x3F9C];
	s0 =	simm.s32 @p1 $0x1  }
0x15: {  	[smem:$0x3FB9] =	sst s0;
	s0 =	simm.s32 @!p2 $0x0  }
0x16: {  	s3 =	sld [smem:$0x3FDB];
	s0 =	simm.s32 @p2 $0x1  }
0x17: {  	s4 =	simm.s32 $0x1BF5;
	[smem:$0x3FBB] =	sst s0  }
0x18: {  	s0 =	sld [smem:$0x3F9E];
	_ =	swait.ge [sflag:s4], $0x0  }
0x19: {  	s7 =	sld [smem:$0x3F9F]  }
0x1a: {  	s8 =	sadd.s32 $0xFFFFE003, lr  }
0x1b: {  	s9 =	sadd.s32 $0xFFFFFEF7, lr;
	s5 =	simm.s32 $0xFFFFFFFF;
	p2 =	slt.u32 s8, $0xFFFFF086  }
0x1c: {  	p1 =	slt.u32 s9, $0xF7A;
	s5 =	simm.s32 @!p2 $0x0  }
0x1d: {  	s5 =	simm.s32 @p1 $0x1;
	p0 =	seq.s32 s7, s2  }
0x1e: {  	s7 =	smul.u32 @!p0 $0xF7A, s2;
	p2 =	seq.s32 @!p0 s5, $0x0  }
0x1f: {  	s9 =	smul.u32 $0xF7A, s1;
	s8 =	simm.s32 @!p0 $0x1BF5;
	p2 =	por !p2, p0  }
0x20: {  	[sflag:s8] =	ssyncset.s32 @!p0 $0xFFFFF086;
	s6 =	sadd.s32 @!p0 s3, s7;
	s7 =	simm.s32 @!p0 $0x108  }
0x21: {  	s3 =	sadd.s32 s3, s9;
	s6 =	sadd.s32 @!p0 $0x88, s6;
	s7 =	simm.s32 @p2 $0x1082  }
0x22: {  	[simem:s7], [sflag:s8] =	dma.local @!p0 [hbm:s6], $0xF7A  }
0x23: {  	s9 =	sor.u32 $0xD0000000, s2;
	s6 =	simm.s32 $0x108;
	_ =	swait.ge @!p0 [sflag:s8], $0x0  }
0x24: {  	s3 =	sadd.s32 $0x88, s3;
	s6 =	simm.s32 @!p1 $0x1082;
	[sflag:s4] =	ssyncset.s32 $0xFFFFF086  }
0x25: {  	[simem:s6], [sflag:s4] =	dma.local [hbm:s3], $0xF7A  }
0x26: {  	[smem:$0x3F9F] =	sst s1;
	(tag) =	ssettag s2;
	_ =	strace s9  }
0x27: {  	s1 =	sld [smem:$0x3FAF]  }
0x28: {  	s2 =	sld [smem:$0x3FB0]  }
0x29: {  	s4 =	sld [smem:$0x3FB2]  }
0x2a: {  	p0 =	seq.s32 s5, $0x0;
	s5 =	sld [smem:$0x3FB3]  }
0x2b: {  	s6 =	sld [smem:$0x3FB4]  }
0x2c: {  	s7 =	sld [smem:$0x3FB5]  }
0x2d: {  	s3 =	simm.s32 $0x108;
	s8 =	sld [smem:$0x3FB6]  }
0x2e: {  	s3 =	simm.s32 @!p0 $0x1082;
	s9 =	sld [smem:$0x3FB7]  }
0x2f: {  	lr =	sadd.s32 s0, s3;
	s0 =	sld [smem:$0x3FAE]  }
0x30: {  	s3 =	sld [smem:$0x3FB1]  }
0x31: {  	[smem:$0x3FBA] =	sst s10  }
0x32: {  	s10 =	sld [smem:$0x3FB8];
	_ =	sdelay $0x3  }
0x33: {  	p0 =	seq.s32 s10, $0x1;
	s10 =	sld [smem:$0x3FBA];
	_ =	sdelay $0x3  }
0x34: {  	[smem:$0x3FBA] =	sst s10  }
0x35: {  	s10 =	sld [smem:$0x3FB9];
	_ =	sdelay $0x3  }
0x36: {  	p1 =	seq.s32 s10, $0x1;
	s10 =	sld [smem:$0x3FBA];
	_ =	sdelay $0x3  }
0x37: {  	[smem:$0x3FBA] =	sst s10  }
0x38: {  	s10 =	sld [smem:$0x3FBB]  }
0x39: {  	_ = 	snop;
	(pc) =	sbr.ind lr, $3  }
0x3a: {  	_ = 	snop  }
0x3b: {  	_ = 	snop  }
0x3c: {  	p2 =	seq.s32 s10, $0x1;
	s10 =	sld [smem:$0x3FBA]  }
0x3d: {  	_ =	shalt  }
0x3e: {  	_ =	shalt  }
0x3f: {  	_ =	shalt  }
0x40: {  	_ =	shalt  }
0x41: {  	_ =	shalt  }
0x42: {  	_ =	shalt  }
0x43: {  	_ =	shalt  }
0x44: {  	_ =	shalt  }
0x45: {  	_ =	shalt  }
0x46: {  	_ =	shalt  }
0x47: {  	_ =	shalt  }
0x48: {  	_ =	shalt  }
0x49: {  	_ =	shalt  }
0x4a: {  	_ =	shalt  }
0x4b: {  	_ =	shalt  }
0x4c: {  	_ =	shalt  }
0x4d: {  	_ =	shalt  }
0x4e: {  	_ =	shalt  }
0x4f: {  	_ =	shalt  }
0x50: {  	_ =	shalt  }
0x51: {  	_ =	shalt  }
0x52: {  	_ =	shalt  }
0x53: {  	_ =	shalt  }
0x54: {  	_ =	shalt  }
0x55: {  	_ =	shalt  }
0x56: {  	_ =	shalt  }
0x57: {  	_ =	shalt  }
0x58: {  	_ =	shalt  }
0x59: {  	_ =	shalt  }
0x5a: {  	_ =	shalt  }
0x5b: {  	_ =	shalt  }
0x5c: {  	_ =	shalt  }
0x5d: {  	_ =	shalt  }
0x5e: {  	_ =	shalt  }
0x5f: {  	_ =	shalt  }
0x60: {  	_ =	shalt  }
0x61: {  	_ =	shalt  }
0x62: {  	_ =	shalt  }
0x63: {  	_ =	shalt  }
0x64: {  	_ =	shalt  }
0x65: {  	_ =	shalt  }
0x66: {  	_ =	shalt  }
0x67: {  	_ =	shalt  }
0x68: {  	_ =	shalt  }
0x69: {  	_ =	shalt  }
0x6a: {  	_ =	shalt  }
0x6b: {  	_ =	shalt  }
0x6c: {  	_ =	shalt  }
0x6d: {  	_ =	shalt  }
0x6e: {  	_ =	shalt  }
0x6f: {  	_ =	shalt  }
0x70: {  	_ =	shalt  }
0x71: {  	_ =	shalt  }
0x72: {  	_ =	shalt  }
0x73: {  	_ =	shalt  }
0x74: {  	_ =	shalt  }
0x75: {  	_ =	shalt  }
0x76: {  	_ =	shalt  }
0x77: {  	_ =	shalt  }
0x78: {  	_ =	shalt  }
0x79: {  	_ =	shalt  }
0x7a: {  	_ =	shalt  }
0x7b: {  	_ =	shalt  }
0x7c: {  	_ =	shalt  }
0x7d: {  	_ =	shalt  }
0x7e: {  	_ =	shalt  }
0x7f: {  	_ =	shalt  }
0x80: {  	_ =	shalt  }
0x81: {  	_ =	shalt  }
0x82: {  	_ =	shalt  }
0x83: {  	_ =	shalt  }
0x84: {  	_ =	shalt  }
0x85: {  	_ =	shalt  }
0x86: {  	_ =	shalt  }
0x87: {  	_ =	shalt  }
.Lfunc_end0:
.L_simem_size_0:
called_computation_lowered:
.L_overlay_start_0:
0x88: {  	s2 =	sld [smem:$0x3FD9]  }
0x89: {  	s3 =	sld [smem:$0x3FFE];
	_ =	sdelay $0x1  }
0x8a: {  	s1 =	srdreg.scid  }
0x8b: {  	s0 =	sand.u32 $0x1, s1  }
0x8c: {  	s17 =	sshll.u32 s0, $0xA;
	s2 =	sadd.s32 s3, s2  }
0x8d: {  	s2 =	sadd.s32 s2, s17  }
0x8e: {  	[smem:$0x3FC6] =	sst s2  }
0x8f: {  	_ = 	snop  }
0x90: {  	s2 =	sld [smem:$0x3FC8]  }
0x91: {  	s18 =	sld [smem:$0x3FD0];
	(tm) =	ssettm $0x1  }
0x92: {  	s4 =	sld [smem:$0x3FFB];
	_ =	sdelay $0x3  }
0x93: {  	_ =	strace s4  }
0x94: {  	s4 =	sld [smem:$0x3FFC];
	_ =	sdelay $0x3  }
0x95: {  	_ =	strace s4  }
0x96: {  	s4 =	sld [smem:$0x3FFD];
	_ =	sdelay $0x3  }
0x97: {  	_ =	strace s4  }
0x98: {  	_ =	strace $0x8FFFFFFF  }
0x99: {  	s19 =	sld [smem:$0x3FDB];
	_ =	sdelay $0x1  }
0x9a: {  	s5 =	simm.s32 $_scs_section_size  }
0x9b: {  	s6 =	simm.s32 $_size__tile_overlayer_lowered;
	s7 =	simm.s32 $_tile_overlayer_lowered  }
0x9c: {  	s22 =	simm.s32 $0x1BFF;
	s21 =	sshll.u32 s7, $0x1;
	s4 =	sadd.s32 s5, s19  }
0x9d: {  	s8 =	simm.s32 $0x0;
	s20 =	sshll.u32 s6, $0x1;
	s6 =	sadd.s32 s21, s4  }
0x9e: {  	[timem:s8], [sflag:s22] =	dma.local [hbm:s6], s20  }
0x9f: {  	_ =	swait.ge [sflag:s22], s20  }
0xa0: {  	s5 =	ssub.s32 $0x0, s20;
	[sflag:s22] =	ssyncset.done $0x0  }
0xa1: {  	[sflag:s22] =	ssyncadd.s32 s5;
	_ =	sdelay $0x1  }
0xa2: {  	s23 =	simm.s32 $0x1B8B  }
0xa3: {  	_ =	swait.ge [sflag:s23], $0x1  }
0xa4: {  	[sflag:s23] =	ssyncset.done $0x0  }
0xa5: {  	s25 =	simm.s32 $0x1B8E;
	s24 =	sld [smem:$0x3FFE];
	[sflag:s23] =	ssyncadd.s32 $0xFFFFFFFF  }
0xa6: {  	s26 =	simm.s32 $execute0_lowered;
	[smem:$0x3FD2] =	sst s25  }
0xa7: {  	s6 =	sshll.u32 s26, $0x1;
	_ =	strace $0x80000046;
	[dreg:$0x1] =	wrdreg $0xFFFFFFFF  }
0xa8: {  	s28 =	simm.s32 $_size_execute0_lowered;
	s4 =	sadd.s32 s4, s6;
	[dreg:$0x0] =	wrdreg $0x0  }
0xa9: {  	s6 =	sshll.u32 s28, $0x1;
	[dreg:$0x2] =	wrdreg s4  }
0xaa: {  	[dreg:$0x3] =	wrdreg s6  }
0xab: {  	[dreg:$0x4] =	wrdreg $0xC0  }
0xac: {  	_ =	task [dreg:s8], $0x5FFFF  }
0xad: {  	[dreg:$0x1] =	wrdreg $0xFFFFFFFF  }
0xae: {  	[dreg:$0x0] =	wrdreg $0x60  }
0xaf: {  	[dreg:$0x2] =	wrdreg s2  }
0xb0: {  	[dreg:$0x3] =	wrdreg s24  }
0xb1: {  	[dreg:$0x4] =	wrdreg s18  }
0xb2: {  	[dreg:$0x5] =	wrdreg $0x9  }
0xb3: {  	_ =	task.clear_ibuf [dreg:s8], $0x6FFFF;
	_ =	strace $0x90000046  }
0xb4: {  	s29 =	simm.s32 $0x9;
	_ =	strace $0x80000048  }
0xb5: {  	_ =	swait.ge [sflag:s29], $0x1  }
0xb6: {  	[sflag:s29] =	ssyncadd.s32 $0xFFFFFFFF  }
0xb7: {  	_ =	strace $0x90000048  }
0xb8: {  	_ =	sfence  }
0xb9: {  	s30 =	sld [smem:$0x0];
	_ =	sdelay $0x2  }
0xba: {  	s31 =	sshll.u32 s1, $0xD;
	s1 =	sshrl.u32 s1, $0x2  }
0xbb: {  	s3 =	sand.u32 $0x4000, s31;
	s1 =	sadd.s32 s1, s30  }
0xbc: {  	s0 =	sor.u32 s3, s0;
	s1 =	sshll.u32 s1, $0x11  }
0xbd: {  	s0 =	sor.u32 s1, s0  }
0xbe: {  	s0 =	sadd.s32 $0x8F2B, s0  }
0xbf: {  	[sflag:s0] =	ssyncadd.remote.s32 $0x1  }
0xc0: {  	_ =	sfence.sel $0xFFFF  }
0xc1: {  	[dreg:$0x0] =	wrdreg $0xFFFFFFFF;
	(pc) =	sbr.abs _section_cstart, $3  }
0xc2: {  	[dreg:$0x1] =	wrdreg $0xFFFFFFFF  }
0xc3: {  	_ =	task.clear_ibuf [dreg:s8], $0x2FFFF;
	_ =	strace $0x9FFFFFFF  }
0xc4: {  	(tm) =	ssettm $0x7FFFFFFF  }
0xc5: {  	_ =	shalt  }
tec
execute0_lowered:
.L_overlay_start_1:
0x0: {  	(tag) =	ssettag $0x1  }
0x1: {  	s1 =	rddreg [dreg:$0x0]  }
0x2: {  	s2 =	srdreg.scid;
	s4 =	rddreg [dreg:$0x1]  }
0x3: {  	s0 =	stileid.u32;
	s7 =	rddreg [dreg:$0x2]  }
0x4: {  	s3 =	simm.s32 $0x0;
	s13 =	simm.s32 $0x2;
	s14 =	simm.s32 $0x8800  }
0x5: {  	s15 =	simm.s32 $0xC800;
	s16 =	simm.s32 $0x3;
	s8 =	smul.u32 $0xC800, s0  }
0x6: {  	s17 =	simm.s32 $0x4;
	s5 =	sand.u32 $0x1, s2;
	s12 =	smul.u32 $0xC8000, s0  }
0x7: {  	s18 =	simm.s32 $0x0;
	s29 =	sshll.u32 s0, $0x1;
	s10 =	smul.u32 $0x6400, s5  }
0x8: {  	s2 =	rddreg [dreg:$0x3];
	s6 =	sor.u32 s5, s29;
	s30 =	smul.u32 $0x64000, s5  }
0x9: {  	[smem:$0x7FF] =	sst s3;
	s4 =	sadd.s32 $0x400, s4;
	s6 =	smul.u32 $0x6400, s6  }
.Ltmp0:
0xa: {  	_ =	strace $0x80000047;
	s9 =	ssub.s32 $0x2, s5;
	(pc) =	sbr.rel .LBB2_1-.Ltmp0, $4  }
0xb: {  	s11 =	sshrl.u32 s9, $0x1;
	s31 =	sadd.s32 s12, s7;
	s12 =	simm.s32 $0x4800  }
0xc: {  	s9 =	ssub.s32 s9, s11;
	s7 =	sadd.s32 s10, s8;
	s8 =	sadd.s32 s30, s31  }
0xd: {  	s10 =	simm.s32 $0x80;
	s11 =	simm.s32 $0x800;
	s6 =	sshrl.u32 s6, $0x3  }
0xe: {  	s5 =	sadd.s32 s4, s6;
	s6 =	smax.u32 s9, $0x1;
	s9 =	simm.s32 $0x1  }
.LBB2_6:
0xf: {  	s18 =	sadd.s32 $0x1, s18  }
0x10: {  	_ =	swait.ge [sflag:s16], $0x8000;
	p0 =	sne.s32 s18, s6  }
.Ltmp1:
0x11: {  	[sflag:s16] =	ssyncset.done $0x0;
	(pc) =	sbr.rel @!p0 .LBB2_7-.Ltmp1, $4  }
0x12: {  	[sflag:s16] =	ssyncadd.s32 $0xFFFF8000  }
0x13: {  	_ =	swait.ge [sflag:s17], $0x8000  }
0x14: {  	[sflag:s17] =	ssyncset.done $0x0  }
0x15: {  	[sflag:s17] =	ssyncadd.s32 $0xFFFF8000  }
.LBB2_1:
.Ltmp2:
0x16: {  	(pc) =	sbr.rel .LBB2_2-.Ltmp2, $3  }
0x17: {  	_ =	sdelay $0x1  }
0x18: {  	[tilespmem:s3], [sflag:$0x1] =	stream.linear.gather [hbm4b:s5+s3], $0x400, $0x38;
	[tilespmem:$0x10800] =	vst v63  }
0x19: {  	s19 =	simm.s32 $0x400;
	s20 =	simm.s32 $0x0  }
.LBB2_4:
0x1a: {  	_ =	swait.ge [sflag:s16], $0x8000  }
0x1b: {  	[sflag:s16] =	ssyncset.done $0x0  }
0x1c: {  	p0 =	por $0x0, $0x0;
	[sflag:s16] =	ssyncadd.s32 $0xFFFF8000  }
.LBB2_5:
0x1d: {  	s21 =	sadd.s32 $0xFFFFFC00, s19  }
0x1e: {  	s21 =	sand.u32 $0x400, s21  }
0x1f: {  	[tilespmem:s11], [sflag:$0x2] =	stream.indirect.gather [hbm4b:s1+s10], $0x80, s21, s10, $0xb8;
	[tilespmem:$0x10800] =	vst v63  }
0x20: {  	s22 =	sor.u32 $0x80, s21  }
0x21: {  	[tilespmem:s12], [sflag:$0x2] =	stream.indirect.gather [hbm4b:s1+s10], $0x80, s22, s10, $0xb8;
	[tilespmem:$0x10800] =	vst v63  }
0x22: {  	_ =	swait.ge [sflag:s13], $0x4000  }
0x23: {  	[sflag:s13] =	ssyncset.done $0x0  }
0x24: {  	[sflag:s13] =	ssyncadd.s32 $0xFFFFC000  }
0x25: {  	_ =	swait.ge [sflag:s13], $0x4000  }
0x26: {  	[sflag:s13] =	ssyncset.done $0x0  }
0x27: {  	s23 =	simm.s32 @!p0 $0x4;
	s22 =	sadd.s32 s20, s8;
	[sflag:s13] =	ssyncadd.s32 $0xFFFFC000  }
0x28: {  	[hbm4b:s22+s3] =	stream.linear.scatter [tilespmem:s11], [sflag:$0x3], $0x8000, $0x38;
	[tilespmem:$0x10800] =	vst v63  }
0x29: {  	_ =	swait.ge @!p0 [sflag:s23], $0x8000  }
0x2a: {  	[sflag:s23] =	ssyncset.done @!p0 $0x0  }
0x2b: {  	s31 =	sadd.s32 $0x100, s21;
	[sflag:s23] =	ssyncadd.s32 @!p0 $0xFFFF8000  }
0x2c: {  	[tilespmem:s14], [sflag:$0x2] =	stream.indirect.gather [hbm4b:s1+s10], $0x80, s31, s10, $0xb8;
	[tilespmem:$0x10800] =	vst v63  }
0x2d: {  	s24 =	sadd.s32 $0x180, s21  }
0x2e: {  	[tilespmem:s15], [sflag:$0x2] =	stream.indirect.gather [hbm4b:s1+s10], $0x80, s24, s10, $0xb8;
	[tilespmem:$0x10800] =	vst v63  }
0x2f: {  	_ =	swait.ge [sflag:s13], $0x4000  }
0x30: {  	[sflag:s13] =	ssyncset.done $0x0  }
0x31: {  	[sflag:s13] =	ssyncadd.s32 $0xFFFFC000  }
0x32: {  	_ =	swait.ge [sflag:s13], $0x4000  }
0x33: {  	[sflag:s13] =	ssyncset.done $0x0  }
0x34: {  	s25 =	sadd.s32 $0x1000, s22;
	[sflag:s13] =	ssyncadd.s32 $0xFFFFC000  }
0x35: {  	[hbm4b:s25+s3] =	stream.linear.scatter [tilespmem:s14], [sflag:$0x4], $0x8000, $0x38;
	[tilespmem:$0x10800] =	vst v63  }
0x36: {  	_ =	swait.ge [sflag:s16], $0x8000  }
0x37: {  	[sflag:s16] =	ssyncset.done $0x0  }
0x38: {  	s26 =	sadd.s32 $0x200, s21;
	[sflag:s16] =	ssyncadd.s32 $0xFFFF8000  }
0x39: {  	[tilespmem:s11], [sflag:$0x2] =	stream.indirect.gather [hbm4b:s1+s10], $0x80, s26, s10, $0xb8;
	[tilespmem:$0x10800] =	vst v63  }
0x3a: {  	s28 =	sadd.s32 $0x280, s21  }
0x3b: {  	[tilespmem:s12], [sflag:$0x2] =	stream.indirect.gather [hbm4b:s1+s10], $0x80, s28, s10, $0xb8;
	[tilespmem:$0x10800] =	vst v63  }
0x3c: {  	_ =	swait.ge [sflag:s13], $0x4000  }
0x3d: {  	[sflag:s13] =	ssyncset.done $0x0  }
0x3e: {  	[sflag:s13] =	ssyncadd.s32 $0xFFFFC000  }
0x3f: {  	_ =	swait.ge [sflag:s13], $0x4000  }
0x40: {  	[sflag:s13] =	ssyncset.done $0x0  }
0x41: {  	s29 =	sadd.s32 $0x2000, s22;
	[sflag:s13] =	ssyncadd.s32 $0xFFFFC000  }
0x42: {  	[hbm4b:s29+s3] =	stream.linear.scatter [tilespmem:s11], [sflag:$0x3], $0x8000, $0x38;
	[tilespmem:$0x10800] =	vst v63  }
0x43: {  	_ =	swait.ge [sflag:s17], $0x8000  }
0x44: {  	[sflag:s17] =	ssyncset.done $0x0  }
0x45: {  	s30 =	sadd.s32 $0x300, s21;
	[sflag:s17] =	ssyncadd.s32 $0xFFFF8000  }
0x46: {  	[tilespmem:s14], [sflag:$0x2] =	stream.indirect.gather [hbm4b:s1+s10], $0x80, s30, s10, $0xb8;
	[tilespmem:$0x10800] =	vst v63  }
0x47: {  	s21 =	sadd.s32 $0x380, s21  }
0x48: {  	[tilespmem:s15], [sflag:$0x2] =	stream.indirect.gather [hbm4b:s1+s10], $0x80, s21, s10, $0xb8;
	[tilespmem:$0x10800] =	vst v63  }
0x49: {  	s20 =	sadd.s32 $0x4000, s20;
	_ =	swait.ge [sflag:s13], $0x4000  }
0x4a: {  	p0 =	sne.s32 s20, $0x64000;
	[sflag:s13] =	ssyncset.done $0x0  }
.Ltmp3:
0x4b: {  	[sflag:s13] =	ssyncadd.s32 $0xFFFFC000;
	(pc) =	sbr.rel @!p0 .LBB2_6-.Ltmp3, $4  }
0x4c: {  	_ =	swait.ge [sflag:s13], $0x4000  }
0x4d: {  	[sflag:s13] =	ssyncset.done $0x0  }
0x4e: {  	s19 =	sadd.s32 $0x400, s19;
	s31 =	sadd.s32 $0x3000, s22;
	[sflag:s13] =	ssyncadd.s32 $0xFFFFC000  }
0x4f: {  	[hbm4b:s31+s3] =	stream.linear.scatter [tilespmem:s14], [sflag:$0x4], $0x8000, $0x38;
	[tilespmem:$0x10800] =	vst v63  }
.LBB2_2:
0x50: {  	p0 =	seq.s32 s20, $0x60000  }
0x51: {  	p1 =	seq.s32 @!p0 s20, $0x0  }
0x52: {  	p1 =	por p0, !p1  }
.Ltmp4:
0x53: {  	_ = 	snop;
	(pc) =	sbr.rel @p1 .LBB2_4-.Ltmp4, $4  }
0x54: {  	_ =	swait.ge [sflag:s9], $0x400;
	s21 =	sadd.s32 @!p0 s19, s7  }
0x55: {  	[sflag:s9] =	ssyncset.done $0x0;
	s22 =	sand.u32 @!p0 $0x400, s19;
	s21 =	sshrl.u32 @!p0 s21, $0x3  }
0x56: {  	s23 =	simm.s32 @!p0 $0x0;
	[sflag:s9] =	ssyncadd.s32 $0xFFFFFC00;
	s21 =	sadd.s32 @!p0 s4, s21  }
0x57: {  	[tilespmem:s22], [sflag:$0x1] =	stream.linear.gather @!p0 [hbm4b:s21+s23], $0x400, $0x38;
	[tilespmem:$0x10800] =	vst v63  }
.Ltmp5:
0x58: {  	(pc) =	sbr.rel .LBB2_5-.Ltmp5, $2  }
0x59: {  	_ =	sdelay $0x2  }
0x5a: {  	p0 =	por @!p0 $0x1, $0x1  }
.LBB2_7:
0x5b: {  	_ =	sfence.sel $0x180000  }
0x5c: {  	[bflag:$0x0] =	sbarrier.arrive $0xFFFF  }
0x5d: {  	p0 =	sne.s32 s0, $0x0;
	_ =	strace $0x90000047  }
0x5e: {  	s0 =	sadd.s32 @!p0 $0x100000, s2;
	[bflag:$0x2] =	sbarrier.arrive $0xFFFF  }
0x5f: {  	[sflag:s0] =	ssyncadd.tile.s32 @!p0 $0x1;
	_ =	shalt  }
.Lfunc_end2:
_tile_overlayer_lowered:
.L_overlay_start_2:
0x60: {  	(tag) =	ssettag $0x2  }
0x61: {  	s0 =	rddreg [dreg:$0x0];
	s2 =	stileid.u32  }
0x62: {  	s1 =	rddreg [dreg:$0x1];
	p0 =	sne.s32 s2, $0x0  }
0x63: {  	s3 =	rddreg [dreg:$0x2];
	[bflag:$0x3] =	sbarrier.arrive $0xFFFF;
	s2 =	simm.s32 @!p0 $0x1C05  }
0x64: {  	[timem:s3], [sflag:s2] =	dma.local @!p0 [hbm:s0], s1  }
0x65: {  	s0 =	simm.s32 @!p0 $0x5  }
0x66: {  	_ =	swait.ge @!p0 [sflag:s0], s1  }
0x67: {  	s1 =	ssub.s32 @!p0 $0x0, s1;
	[sflag:s0] =	ssyncset.done @!p0 $0x0  }
0x68: {  	[sflag:s0] =	ssyncadd.s32 @!p0 s1  }
0x69: {  	[bflag:$0x3] =	sbarrier.arrive $0xFFFF  }
0x6a: {  	_ =	shalt  }

</sc_bundles>
